<compile_context>
chip_gen: v7x
topology: tpu7x:2x2x1
jax: 0.10.2.dev20260603
libtpu: 0.0.44.dev20260713+nightly
codegen_flags: <defaults>
</compile_context>

<pallas_src>
import jax
import jax.numpy as jnp
from jax import lax
from jax.experimental import pallas as pl
from jax.experimental.pallas import tpu as pltpu
from jax.experimental.pallas import tpu_sc as plsc

_NC, _NS, _L = 2, 16, 16
_S_SC = 256
_QPT = _S_SC // _NS
_QPASS = 8
_CHUNK = 1920



def _tc_body(x1_ref, x2t_ref, sum1_ref, min2_ref):
    B, N, _ = x1_ref.shape
    M = x2t_ref.shape[2]
    n_chunks = (N - _S_SC) // _CHUNK

    total = jnp.float32(0.0)
    for b in range(B):
        G = x2t_ref[b]
        r2 = jnp.sum(G * G, axis=0, keepdims=True)
        Ga = jnp.concatenate([G, r2], axis=0)

        def chunk_step(i, carry):
            sum1, min2 = carry
            q = x1_ref[b, pl.ds(_S_SC + i * _CHUNK, _CHUNK), :]
            q2 = jnp.sum(q * q, axis=1, keepdims=True)
            qa = jnp.concatenate(
                [-2.0 * q, jnp.ones((_CHUNK, 1), jnp.float32)], axis=1
            )
            dp = jax.lax.dot_general(
                qa, Ga, (((1,), (0,)), ((), ())),
                preferred_element_type=jnp.float32,
            )
            rmin = jnp.min(dp, axis=1, keepdims=True) + q2
            sum1 = sum1 + jnp.sum(jnp.maximum(rmin, 0.0))
            min2 = jnp.minimum(min2, jnp.min(dp + q2, axis=0))
            return sum1, min2

        sum1, min2 = jax.lax.fori_loop(
            0, n_chunks, chunk_step,
            (jnp.float32(0.0), jnp.full((M,), jnp.inf, jnp.float32)),
        )
        total = total + sum1
        min2_ref[b, :] = min2

    sum1_ref[0, 0] = total


def _tc_main(xyz1, x2t):
    B, N, _ = xyz1.shape
    M = x2t.shape[2]
    return pl.pallas_call(
        _tc_body,
        out_shape=(
            jax.ShapeDtypeStruct((1, 1), jnp.float32),
            jax.ShapeDtypeStruct((B, M), jnp.float32),
        ),
        out_specs=(
            pl.BlockSpec(memory_space=pltpu.SMEM),
            pl.BlockSpec(memory_space=pltpu.VMEM),
        ),
    )(xyz1, x2t)



def _sc_body(q_hbm, r_hbm, min1_hbm, cmin_hbm, q_v, r_v, cmin_v, min1_v):
    b = lax.axis_index("c")
    s = lax.axis_index("s")
    M = r_hbm.shape[2]
    n_ch = M // _L

    pltpu.sync_copy(r_hbm.at[b], r_v)
    pltpu.sync_copy(q_hbm.at[b, s], q_v)

    inf16 = jnp.full((_L,), jnp.inf, jnp.float32)

    def init_step(j, _):
        cmin_v[pl.ds(j * _L, _L)] = inf16
        return 0

    lax.fori_loop(0, n_ch, init_step, 0)

    for g in range(_QPT // _L):
        nqxv = q_v[0, pl.ds(g * _L, _L)]
        nqyv = q_v[1, pl.ds(g * _L, _L)]
        nqzv = q_v[2, pl.ds(g * _L, _L)]
        q2v = q_v[3, pl.ds(g * _L, _L)]
        for p in range(_L // _QPASS):
            qs = [(nqxv[u], nqyv[u], nqzv[u], q2v[u])
                  for u in range(p * _QPASS, (p + 1) * _QPASS)]

            def r_step(j, rmins, qs=qs):
                base = j * _L
                rx = r_v[0, pl.ds(base, _L)]
                ry = r_v[1, pl.ds(base, _L)]
                rz = r_v[2, pl.ds(base, _L)]
                r2 = r_v[3, pl.ds(base, _L)]
                ds = []
                for (nqx, nqy, nqz, q2) in qs:
                    d = (((r2 + q2) + nqx * rx) + nqy * ry) + nqz * rz
                    ds.append(d)
                dmin = ds[0]
                for d in ds[1:]:
                    dmin = jnp.minimum(dmin, d)
                cmin_v[pl.ds(base, _L)] = jnp.minimum(
                    cmin_v[pl.ds(base, _L)], dmin)
                return tuple(jnp.minimum(r, d) for r, d in zip(rmins, ds))

            rmins = lax.fori_loop(0, n_ch, r_step, (inf16,) * _QPASS,
                                  unroll=2)
            for k, rmin in enumerate(rmins):
                u = g * _L + p * _QPASS + k
                min1_v[pl.ds(u * _L, _L)] = rmin

    pltpu.sync_copy(min1_v, min1_hbm.at[b, s])
    pltpu.sync_copy(cmin_v, cmin_hbm.at[b, s])


def _sc_slice(q_sc, r_sc):
    B = r_sc.shape[0]
    M = r_sc.shape[2]
    mesh = plsc.VectorSubcoreMesh(core_axis_name="c", subcore_axis_name="s")
    return pl.kernel(
        _sc_body,
        out_type=(
            jax.ShapeDtypeStruct((B, _NS, _QPT * _L), jnp.float32),
            jax.ShapeDtypeStruct((B, _NS, M), jnp.float32),
        ),
        mesh=mesh,
        scratch_types=[
            pltpu.VMEM((4, _QPT), jnp.float32),
            pltpu.VMEM((4, M), jnp.float32),
            pltpu.VMEM((M,), jnp.float32),
            pltpu.VMEM((_QPT * _L,), jnp.float32),
        ],
    )(q_sc, r_sc)



def _merge_body(sum1_ref, min2_ref, sc_min1_ref, sc_cmin_ref, out_ref):
    B, _, M = sc_cmin_ref.shape
    N = M

    min1_sum = sum1_ref[0, 0] + jnp.sum(
        jnp.maximum(jnp.min(sc_min1_ref[...], axis=1), 0.0))

    min2_sum = jnp.float32(0.0)
    for b in range(B):
        m2 = min2_ref[b, :]
        for s in range(_NS):
            m2 = jnp.minimum(m2, sc_cmin_ref[b, s, :])
        min2_sum = min2_sum + jnp.sum(jnp.maximum(m2, 0.0))

    out_ref[0, 0] = min1_sum / (B * N) + min2_sum / (B * M)


def _merge(sum1, min2, sc_min1, sc_cmin):
    return pl.pallas_call(
        _merge_body,
        out_shape=jax.ShapeDtypeStruct((1, 1), jnp.float32),
        in_specs=[
            pl.BlockSpec(memory_space=pltpu.SMEM),
            pl.BlockSpec(memory_space=pltpu.VMEM),
            pl.BlockSpec(memory_space=pltpu.VMEM),
            pl.BlockSpec(memory_space=pltpu.VMEM),
        ],
        out_specs=pl.BlockSpec(memory_space=pltpu.SMEM),
    )(sum1, min2, sc_min1, sc_cmin)


def _round_bf16(x):
    return x.astype(jnp.bfloat16).astype(jnp.float32)


def kernel(xyz1, xyz2):
    B, N, _ = xyz1.shape
    x2t = jnp.transpose(xyz2, (0, 2, 1))

    q = xyz1[:, :_S_SC, :]
    q2 = jnp.sum(q * q, axis=-1, keepdims=True)
    q_sc = jnp.concatenate([-2.0 * _round_bf16(q), q2], axis=-1)
    q_sc = jnp.transpose(q_sc.reshape(B, _NS, _QPT, 4), (0, 1, 3, 2))

    r2 = jnp.sum(xyz2 * xyz2, axis=-1)[:, None, :]
    r_sc = jnp.concatenate([_round_bf16(x2t), r2], axis=1)

    sc_min1, sc_cmin = _sc_slice(q_sc, r_sc)
    sum1, min2 = _tc_main(xyz1, x2t)
    out = _merge(sum1, min2, sc_min1.reshape(-1, _L), sc_cmin)
    return out[0, 0]

# --- scband reference (transcript-rebuilt; emitter-appended) ---
"""Pipeline reference for scband-chamfer-loss-51230369907082 (READ-ONLY COPY).

The authoritative reference and input builder live on the scoring server;
editing this copy changes nothing except your own understanding.
"""

import jax, jax.numpy as jnp
import numpy as np


def setup_inputs(seed: int = 0) -> dict:
    key = jax.random.key(seed)
    k1, k2 = jax.random.split(key)
    xyz1 = jax.random.normal(k1, (2, 4096, 3), dtype=jnp.float32)
    xyz2 = jax.random.normal(k2, (2, 4096, 3), dtype=jnp.float32)
    return {"xyz1": xyz1, "xyz2": xyz2}


def reference(xyz1, xyz2):
    # Chamfer distance between two point clouds xyz1:[B,N,3], xyz2:[B,M,3]
    # Pairwise squared distances via ||x||^2 + ||y||^2 - 2 x.y^T
    x2 = jnp.sum(xyz1 * xyz1, axis=-1)  # [B, N]
    y2 = jnp.sum(xyz2 * xyz2, axis=-1)  # [B, M]
    xy = jnp.einsum('bnd,bmd->bnm', xyz1, xyz2)  # [B, N, M]
    d = x2[:, :, None] + y2[:, None, :] - 2.0 * xy  # [B, N, M]
    d = jnp.maximum(d, 0.0)
    min1 = jnp.min(d, axis=2)  # nearest neighbor in xyz2 for each point of xyz1
    min2 = jnp.min(d, axis=1)  # nearest neighbor in xyz1 for each point of xyz2
    loss = jnp.mean(min1) + jnp.mean(min2)
    return loss

if __name__ == "__main__":
    import jax
    _d = setup_inputs()
    print(jax.jit(kernel)(*tuple(_d.values())))

</pallas_src>

<mosaic_0001>
#map = affine_map<(d0, d1) -> (0, 0, 0, 0)>
#map1 = affine_map<(d0, d1) -> (0, 0, 0)>
module attributes {stable_mosaic.version = 14 : i64} {
  func.func @_sc_body(%arg0: i32, %arg1: i32, %arg2: memref<2x16x4x16xf32, #tpu.memory_space<hbm>>, %arg3: memref<2x4x4096xf32, #tpu.memory_space<hbm>>, %arg4: memref<2x16x256xf32, #tpu.memory_space<hbm>>, %arg5: memref<2x16x4096xf32, #tpu.memory_space<hbm>>, %arg6: memref<4x16xf32, #tpu.memory_space<vmem>>, %arg7: memref<4x4096xf32, #tpu.memory_space<vmem>>, %arg8: memref<4096xf32, #tpu.memory_space<vmem>>, %arg9: memref<256xf32, #tpu.memory_space<vmem>>) attributes {dimension_semantics = [#tpu.dimension_semantics<core_parallel>, #tpu.dimension_semantics<subcore_parallel>], iteration_bounds = array<i64: 2, 16>, scalar_prefetch = 0 : i64, scratch_operands = 4 : i64, tpu.core_type = #tpu.core_type<sc_vector_subcore>, window_params = [{transform_indices = #map}, {transform_indices = #map1}, {transform_indices = #map1}, {transform_indices = #map1}]} {
    "tpu.region"() ({
      %run_scoped3A = tpu.sem_alloc : memref<!tpu.dma_semaphore, #tpu.memory_space<semaphore_mem>>
      %dma_start3A = arith.constant 0 : i32
      %dma_start3A_227 = arith.constant 0 : i32
      %dma_start3A_228 = tpu.memref_slice %arg3[%arg0, %dma_start3A, %dma_start3A_227] : memref<2x4x4096xf32, #tpu.memory_space<hbm>> -> memref<1x4x4096xf32, #tpu.memory_space<hbm>>
      %dma_start3A_229 = tpu.memref_squeeze %dma_start3A_228 : memref<1x4x4096xf32, #tpu.memory_space<hbm>> -> memref<4x4096xf32, #tpu.memory_space<hbm>>
      %dma_start3A_230 = arith.constant 0 : i32
      %dma_start3A_231 = arith.constant 0 : i32
      %dma_start3A_232 = tpu.memref_slice %arg3[%arg0, %dma_start3A_230, %dma_start3A_231] : memref<2x4x4096xf32, #tpu.memory_space<hbm>> -> memref<1x4x4096xf32, #tpu.memory_space<hbm>>
      %dma_start3A_233 = tpu.memref_squeeze %dma_start3A_232 : memref<1x4x4096xf32, #tpu.memory_space<hbm>> -> memref<4x4096xf32, #tpu.memory_space<hbm>>
      tpu.enqueue_dma source(%dma_start3A_233 : memref<4x4096xf32, #tpu.memory_space<hbm>>) target(%arg7 : memref<4x4096xf32, #tpu.memory_space<vmem>>) target_semaphore(%run_scoped3A : memref<!tpu.dma_semaphore, #tpu.memory_space<semaphore_mem>>)
      %dma_wait3A = arith.constant 0 : i32
      %dma_wait3A_234 = arith.constant 0 : i32
      %dma_wait3A_235 = tpu.memref_slice %arg3[%arg0, %dma_wait3A, %dma_wait3A_234] : memref<2x4x4096xf32, #tpu.memory_space<hbm>> -> memref<1x4x4096xf32, #tpu.memory_space<hbm>>
      %dma_wait3A_236 = tpu.memref_squeeze %dma_wait3A_235 : memref<1x4x4096xf32, #tpu.memory_space<hbm>> -> memref<4x4096xf32, #tpu.memory_space<hbm>>
      %dma_wait3A_237 = arith.constant 0 : i32
      %dma_wait3A_238 = arith.constant 0 : i32
      %dma_wait3A_239 = tpu.memref_slice %arg3[%arg0, %dma_wait3A_237, %dma_wait3A_238] : memref<2x4x4096xf32, #tpu.memory_space<hbm>> -> memref<1x4x4096xf32, #tpu.memory_space<hbm>>
      %dma_wait3A_240 = tpu.memref_squeeze %dma_wait3A_239 : memref<1x4x4096xf32, #tpu.memory_space<hbm>> -> memref<4x4096xf32, #tpu.memory_space<hbm>>
      tpu.wait_dma2 semaphore(%run_scoped3A : memref<!tpu.dma_semaphore, #tpu.memory_space<semaphore_mem>>) src(%dma_wait3A_240 : memref<4x4096xf32, #tpu.memory_space<hbm>>) dst(%arg7 : memref<4x4096xf32, #tpu.memory_space<vmem>>)
      tpu.yield
    }) : () -> ()
    "tpu.region"() ({
      %run_scoped3A = tpu.sem_alloc : memref<!tpu.dma_semaphore, #tpu.memory_space<semaphore_mem>>
      %dma_start3A = arith.constant 0 : i32
      %dma_start3A_227 = arith.constant 0 : i32
      %dma_start3A_228 = tpu.memref_slice %arg2[%arg0, %arg1, %dma_start3A, %dma_start3A_227] : memref<2x16x4x16xf32, #tpu.memory_space<hbm>> -> memref<1x1x4x16xf32, #tpu.memory_space<hbm>>
      %dma_start3A_229 = tpu.memref_squeeze %dma_start3A_228 : memref<1x1x4x16xf32, #tpu.memory_space<hbm>> -> memref<4x16xf32, #tpu.memory_space<hbm>>
      %dma_start3A_230 = arith.constant 0 : i32
      %dma_start3A_231 = arith.constant 0 : i32
      %dma_start3A_232 = tpu.memref_slice %arg2[%arg0, %arg1, %dma_start3A_230, %dma_start3A_231] : memref<2x16x4x16xf32, #tpu.memory_space<hbm>> -> memref<1x1x4x16xf32, #tpu.memory_space<hbm>>
      %dma_start3A_233 = tpu.memref_squeeze %dma_start3A_232 : memref<1x1x4x16xf32, #tpu.memory_space<hbm>> -> memref<4x16xf32, #tpu.memory_space<hbm>>
      tpu.enqueue_dma source(%dma_start3A_233 : memref<4x16xf32, #tpu.memory_space<hbm>>) target(%arg6 : memref<4x16xf32, #tpu.memory_space<vmem>>) target_semaphore(%run_scoped3A : memref<!tpu.dma_semaphore, #tpu.memory_space<semaphore_mem>>)
      %dma_wait3A = arith.constant 0 : i32
      %dma_wait3A_234 = arith.constant 0 : i32
      %dma_wait3A_235 = tpu.memref_slice %arg2[%arg0, %arg1, %dma_wait3A, %dma_wait3A_234] : memref<2x16x4x16xf32, #tpu.memory_space<hbm>> -> memref<1x1x4x16xf32, #tpu.memory_space<hbm>>
      %dma_wait3A_236 = tpu.memref_squeeze %dma_wait3A_235 : memref<1x1x4x16xf32, #tpu.memory_space<hbm>> -> memref<4x16xf32, #tpu.memory_space<hbm>>
      %dma_wait3A_237 = arith.constant 0 : i32
      %dma_wait3A_238 = arith.constant 0 : i32
      %dma_wait3A_239 = tpu.memref_slice %arg2[%arg0, %arg1, %dma_wait3A_237, %dma_wait3A_238] : memref<2x16x4x16xf32, #tpu.memory_space<hbm>> -> memref<1x1x4x16xf32, #tpu.memory_space<hbm>>
      %dma_wait3A_240 = tpu.memref_squeeze %dma_wait3A_239 : memref<1x1x4x16xf32, #tpu.memory_space<hbm>> -> memref<4x16xf32, #tpu.memory_space<hbm>>
      tpu.wait_dma2 semaphore(%run_scoped3A : memref<!tpu.dma_semaphore, #tpu.memory_space<semaphore_mem>>) src(%dma_wait3A_240 : memref<4x16xf32, #tpu.memory_space<hbm>>) dst(%arg6 : memref<4x16xf32, #tpu.memory_space<vmem>>)
      tpu.yield
    }) : () -> ()
    %broadcast_in_dim3A = arith.constant 0x7F800000 : f32
    %broadcast_in_dim3A_0 = vector.broadcast %broadcast_in_dim3A : f32 to vector<16xf32>
    %scan3A = arith.constant 0 : i32
    %scan3A_1 = arith.constant 0 : i32
    %scan3A_2 = arith.constant 256 : i32
    %scan3A_3 = arith.addi %scan3A_1, %scan3A_2 : i32
    %scan3A_4 = arith.constant 1 : i32
    %scan3A_5 = scf.for %scan3A_227 = %scan3A_1 to %scan3A_3 step %scan3A_4 iter_args(%scan3A_228 = %scan3A) -> (i32)  : i32 {
      %mul3A = arith.constant 16 : i32
      %mul3A_229 = arith.muli %scan3A_227, %mul3A : i32
      %swap3A_230 = arith.index_cast %mul3A_229 : i32 to index
      %swap3A_231 = tpu.vector_load %arg8[%swap3A_230] {strides = array<i32>} : memref<4096xf32, #tpu.memory_space<vmem>>, vector<16xf32>,
      %swap3A_232 = vector.shape_cast %swap3A_231 : vector<16xf32> to vector<16xf32>
      %swap3A_233 = vector.shape_cast %broadcast_in_dim3A_0 : vector<16xf32> to vector<16xf32>
      tpu.vector_store %arg8[%swap3A_230], %swap3A_233 {strides = array<i32>} : memref<4096xf32, #tpu.memory_space<vmem>>, vector<16xf32>,
      %scan3A_234 = arith.constant 0 : i32
      scf.yield %scan3A_234 : i32
    }
    %scan3A_6 = arith.constant 256 : i32
    %get3A = arith.constant 0 : i32
    %get3A_7 = arith.index_cast %get3A : i32 to index
    %get3A_8 = arith.constant 0 : index
    %get3A_9 = tpu.vector_load %arg6[%get3A_7, %get3A_8] {strides = array<i32>} : memref<4x16xf32, #tpu.memory_space<vmem>>, vector<1x16xf32>,
    %get3A_10 = vector.shape_cast %get3A_9 : vector<1x16xf32> to vector<16xf32>
    %get3A_11 = arith.constant 1 : i32
    %get3A_12 = arith.index_cast %get3A_11 : i32 to index
    %get3A_13 = arith.constant 0 : index
    %get3A_14 = tpu.vector_load %arg6[%get3A_12, %get3A_13] {strides = array<i32>} : memref<4x16xf32, #tpu.memory_space<vmem>>, vector<1x16xf32>,
    %get3A_15 = vector.shape_cast %get3A_14 : vector<1x16xf32> to vector<16xf32>
    %get3A_16 = arith.constant 2 : i32
    %get3A_17 = arith.index_cast %get3A_16 : i32 to index
    %get3A_18 = arith.constant 0 : index
    %get3A_19 = tpu.vector_load %arg6[%get3A_17, %get3A_18] {strides = array<i32>} : memref<4x16xf32, #tpu.memory_space<vmem>>, vector<1x16xf32>,
    %get3A_20 = vector.shape_cast %get3A_19 : vector<1x16xf32> to vector<16xf32>
    %get3A_21 = arith.constant 3 : i32
    %get3A_22 = arith.index_cast %get3A_21 : i32 to index
    %get3A_23 = arith.constant 0 : index
    %get3A_24 = tpu.vector_load %arg6[%get3A_22, %get3A_23] {strides = array<i32>} : memref<4x16xf32, #tpu.memory_space<vmem>>, vector<1x16xf32>,
    %get3A_25 = vector.shape_cast %get3A_24 : vector<1x16xf32> to vector<16xf32>
    %slice3A = vector.extract_strided_slice %get3A_10 {offsets = [0], sizes = [1], strides = [1]} : vector<16xf32> to vector<1xf32>
    %squeeze3A = vector.extract %slice3A[0] : f32 from vector<1xf32>
    %slice3A_26 = vector.extract_strided_slice %get3A_15 {offsets = [0], sizes = [1], strides = [1]} : vector<16xf32> to vector<1xf32>
    %squeeze3A_27 = vector.extract %slice3A_26[0] : f32 from vector<1xf32>
    %slice3A_28 = vector.extract_strided_slice %get3A_20 {offsets = [0], sizes = [1], strides = [1]} : vector<16xf32> to vector<1xf32>
    %squeeze3A_29 = vector.extract %slice3A_28[0] : f32 from vector<1xf32>
    %slice3A_30 = vector.extract_strided_slice %get3A_25 {offsets = [0], sizes = [1], strides = [1]} : vector<16xf32> to vector<1xf32>
    %squeeze3A_31 = vector.extract %slice3A_30[0] : f32 from vector<1xf32>
    %slice3A_32 = vector.extract_strided_slice %get3A_10 {offsets = [1], sizes = [1], strides = [1]} : vector<16xf32> to vector<1xf32>
    %squeeze3A_33 = vector.extract %slice3A_32[0] : f32 from vector<1xf32>
    %slice3A_34 = vector.extract_strided_slice %get3A_15 {offsets = [1], sizes = [1], strides = [1]} : vector<16xf32> to vector<1xf32>
    %squeeze3A_35 = vector.extract %slice3A_34[0] : f32 from vector<1xf32>
    %slice3A_36 = vector.extract_strided_slice %get3A_20 {offsets = [1], sizes = [1], strides = [1]} : vector<16xf32> to vector<1xf32>
    %squeeze3A_37 = vector.extract %slice3A_36[0] : f32 from vector<1xf32>
    %slice3A_38 = vector.extract_strided_slice %get3A_25 {offsets = [1], sizes = [1], strides = [1]} : vector<16xf32> to vector<1xf32>
    %squeeze3A_39 = vector.extract %slice3A_38[0] : f32 from vector<1xf32>
    %slice3A_40 = vector.extract_strided_slice %get3A_10 {offsets = [2], sizes = [1], strides = [1]} : vector<16xf32> to vector<1xf32>
    %squeeze3A_41 = vector.extract %slice3A_40[0] : f32 from vector<1xf32>
    %slice3A_42 = vector.extract_strided_slice %get3A_15 {offsets = [2], sizes = [1], strides = [1]} : vector<16xf32> to vector<1xf32>
    %squeeze3A_43 = vector.extract %slice3A_42[0] : f32 from vector<1xf32>
    %slice3A_44 = vector.extract_strided_slice %get3A_20 {offsets = [2], sizes = [1], strides = [1]} : vector<16xf32> to vector<1xf32>
    %squeeze3A_45 = vector.extract %slice3A_44[0] : f32 from vector<1xf32>
    %slice3A_46 = vector.extract_strided_slice %get3A_25 {offsets = [2], sizes = [1], strides = [1]} : vector<16xf32> to vector<1xf32>
    %squeeze3A_47 = vector.extract %slice3A_46[0] : f32 from vector<1xf32>
    %slice3A_48 = vector.extract_strided_slice %get3A_10 {offsets = [3], sizes = [1], strides = [1]} : vector<16xf32> to vector<1xf32>
    %squeeze3A_49 = vector.extract %slice3A_48[0] : f32 from vector<1xf32>
    %slice3A_50 = vector.extract_strided_slice %get3A_15 {offsets = [3], sizes = [1], strides = [1]} : vector<16xf32> to vector<1xf32>
    %squeeze3A_51 = vector.extract %slice3A_50[0] : f32 from vector<1xf32>
    %slice3A_52 = vector.extract_strided_slice %get3A_20 {offsets = [3], sizes = [1], strides = [1]} : vector<16xf32> to vector<1xf32>
    %squeeze3A_53 = vector.extract %slice3A_52[0] : f32 from vector<1xf32>
    %slice3A_54 = vector.extract_strided_slice %get3A_25 {offsets = [3], sizes = [1], strides = [1]} : vector<16xf32> to vector<1xf32>
    %squeeze3A_55 = vector.extract %slice3A_54[0] : f32 from vector<1xf32>
    %slice3A_56 = vector.extract_strided_slice %get3A_10 {offsets = [4], sizes = [1], strides = [1]} : vector<16xf32> to vector<1xf32>
    %squeeze3A_57 = vector.extract %slice3A_56[0] : f32 from vector<1xf32>
    %slice3A_58 = vector.extract_strided_slice %get3A_15 {offsets = [4], sizes = [1], strides = [1]} : vector<16xf32> to vector<1xf32>
    %squeeze3A_59 = vector.extract %slice3A_58[0] : f32 from vector<1xf32>
    %slice3A_60 = vector.extract_strided_slice %get3A_20 {offsets = [4], sizes = [1], strides = [1]} : vector<16xf32> to vector<1xf32>
    %squeeze3A_61 = vector.extract %slice3A_60[0] : f32 from vector<1xf32>
    %slice3A_62 = vector.extract_strided_slice %get3A_25 {offsets = [4], sizes = [1], strides = [1]} : vector<16xf32> to vector<1xf32>
    %squeeze3A_63 = vector.extract %slice3A_62[0] : f32 from vector<1xf32>
    %slice3A_64 = vector.extract_strided_slice %get3A_10 {offsets = [5], sizes = [1], strides = [1]} : vector<16xf32> to vector<1xf32>
    %squeeze3A_65 = vector.extract %slice3A_64[0] : f32 from vector<1xf32>
    %slice3A_66 = vector.extract_strided_slice %get3A_15 {offsets = [5], sizes = [1], strides = [1]} : vector<16xf32> to vector<1xf32>
    %squeeze3A_67 = vector.extract %slice3A_66[0] : f32 from vector<1xf32>
    %slice3A_68 = vector.extract_strided_slice %get3A_20 {offsets = [5], sizes = [1], strides = [1]} : vector<16xf32> to vector<1xf32>
    %squeeze3A_69 = vector.extract %slice3A_68[0] : f32 from vector<1xf32>
    %slice3A_70 = vector.extract_strided_slice %get3A_25 {offsets = [5], sizes = [1], strides = [1]} : vector<16xf32> to vector<1xf32>
    %squeeze3A_71 = vector.extract %slice3A_70[0] : f32 from vector<1xf32>
    %slice3A_72 = vector.extract_strided_slice %get3A_10 {offsets = [6], sizes = [1], strides = [1]} : vector<16xf32> to vector<1xf32>
    %squeeze3A_73 = vector.extract %slice3A_72[0] : f32 from vector<1xf32>
    %slice3A_74 = vector.extract_strided_slice %get3A_15 {offsets = [6], sizes = [1], strides = [1]} : vector<16xf32> to vector<1xf32>
    %squeeze3A_75 = vector.extract %slice3A_74[0] : f32 from vector<1xf32>
    %slice3A_76 = vector.extract_strided_slice %get3A_20 {offsets = [6], sizes = [1], strides = [1]} : vector<16xf32> to vector<1xf32>
    %squeeze3A_77 = vector.extract %slice3A_76[0] : f32 from vector<1xf32>
    %slice3A_78 = vector.extract_strided_slice %get3A_25 {offsets = [6], sizes = [1], strides = [1]} : vector<16xf32> to vector<1xf32>
    %squeeze3A_79 = vector.extract %slice3A_78[0] : f32 from vector<1xf32>
    %slice3A_80 = vector.extract_strided_slice %get3A_10 {offsets = [7], sizes = [1], strides = [1]} : vector<16xf32> to vector<1xf32>
    %squeeze3A_81 = vector.extract %slice3A_80[0] : f32 from vector<1xf32>
    %slice3A_82 = vector.extract_strided_slice %get3A_15 {offsets = [7], sizes = [1], strides = [1]} : vector<16xf32> to vector<1xf32>
    %squeeze3A_83 = vector.extract %slice3A_82[0] : f32 from vector<1xf32>
    %slice3A_84 = vector.extract_strided_slice %get3A_20 {offsets = [7], sizes = [1], strides = [1]} : vector<16xf32> to vector<1xf32>
    %squeeze3A_85 = vector.extract %slice3A_84[0] : f32 from vector<1xf32>
    %slice3A_86 = vector.extract_strided_slice %get3A_25 {offsets = [7], sizes = [1], strides = [1]} : vector<16xf32> to vector<1xf32>
    %squeeze3A_87 = vector.extract %slice3A_86[0] : f32 from vector<1xf32>
    %scan3A_88 = arith.constant 0 : i32
    %scan3A_89 = arith.constant 256 : i32
    %scan3A_90 = arith.addi %scan3A_88, %scan3A_89 : i32
    %scan3A_91 = arith.constant 2 : i32
    %scan3A_92:8 = scf.for %scan3A_227 = %scan3A_88 to %scan3A_90 step %scan3A_91 iter_args(%scan3A_228 = %broadcast_in_dim3A_0, %scan3A_229 = %broadcast_in_dim3A_0, %scan3A_230 = %broadcast_in_dim3A_0, %scan3A_231 = %broadcast_in_dim3A_0, %scan3A_232 = %broadcast_in_dim3A_0, %scan3A_233 = %broadcast_in_dim3A_0, %scan3A_234 = %broadcast_in_dim3A_0, %scan3A_235 = %broadcast_in_dim3A_0) -> (vector<16xf32>, vector<16xf32>, vector<16xf32>, vector<16xf32>, vector<16xf32>, vector<16xf32>, vector<16xf32>, vector<16xf32>)  : i32 {
      %mul3A = arith.constant 16 : i32
      %mul3A_236 = arith.muli %scan3A_227, %mul3A : i32
      %get3A_237 = arith.constant 0 : i32
      %get3A_238 = arith.index_cast %get3A_237 : i32 to index
      %get3A_239 = arith.index_cast %mul3A_236 : i32 to index
      %get3A_240 = tpu.vector_load %arg7[%get3A_238, %get3A_239] {strides = array<i32>} : memref<4x4096xf32, #tpu.memory_space<vmem>>, vector<1x16xf32>,
      %get3A_241 = vector.shape_cast %get3A_240 : vector<1x16xf32> to vector<16xf32>
      %get3A_242 = arith.constant 1 : i32
      %get3A_243 = arith.index_cast %get3A_242 : i32 to index
      %get3A_244 = arith.index_cast %mul3A_236 : i32 to index
      %get3A_245 = tpu.vector_load %arg7[%get3A_243, %get3A_244] {strides = array<i32>} : memref<4x4096xf32, #tpu.memory_space<vmem>>, vector<1x16xf32>,
      %get3A_246 = vector.shape_cast %get3A_245 : vector<1x16xf32> to vector<16xf32>
      %get3A_247 = arith.constant 2 : i32
      %get3A_248 = arith.index_cast %get3A_247 : i32 to index
      %get3A_249 = arith.index_cast %mul3A_236 : i32 to index
      %get3A_250 = tpu.vector_load %arg7[%get3A_248, %get3A_249] {strides = array<i32>} : memref<4x4096xf32, #tpu.memory_space<vmem>>, vector<1x16xf32>,
      %get3A_251 = vector.shape_cast %get3A_250 : vector<1x16xf32> to vector<16xf32>
      %get3A_252 = arith.constant 3 : i32
      %get3A_253 = arith.index_cast %get3A_252 : i32 to index
      %get3A_254 = arith.index_cast %mul3A_236 : i32 to index
      %get3A_255 = tpu.vector_load %arg7[%get3A_253, %get3A_254] {strides = array<i32>} : memref<4x4096xf32, #tpu.memory_space<vmem>>, vector<1x16xf32>,
      %get3A_256 = vector.shape_cast %get3A_255 : vector<1x16xf32> to vector<16xf32>
      %add3A = vector.broadcast %squeeze3A_31 : f32 to vector<16xf32>
      %add3A_257 = arith.addf %get3A_256, %add3A : vector<16xf32>
      %mul3A_258 = vector.broadcast %squeeze3A : f32 to vector<16xf32>
      %mul3A_259 = arith.mulf %mul3A_258, %get3A_241 : vector<16xf32>
      %add3A_260 = arith.addf %add3A_257, %mul3A_259 : vector<16xf32>
      %mul3A_261 = vector.broadcast %squeeze3A_27 : f32 to vector<16xf32>
      %mul3A_262 = arith.mulf %mul3A_261, %get3A_246 : vector<16xf32>
      %add3A_263 = arith.addf %add3A_260, %mul3A_262 : vector<16xf32>
      %mul3A_264 = vector.broadcast %squeeze3A_29 : f32 to vector<16xf32>
      %mul3A_265 = arith.mulf %mul3A_264, %get3A_251 : vector<16xf32>
      %add3A_266 = arith.addf %add3A_263, %mul3A_265 : vector<16xf32>
      %add3A_267 = vector.broadcast %squeeze3A_39 : f32 to vector<16xf32>
      %add3A_268 = arith.addf %get3A_256, %add3A_267 : vector<16xf32>
      %mul3A_269 = vector.broadcast %squeeze3A_33 : f32 to vector<16xf32>
      %mul3A_270 = arith.mulf %mul3A_269, %get3A_241 : vector<16xf32>
      %add3A_271 = arith.addf %add3A_268, %mul3A_270 : vector<16xf32>
      %mul3A_272 = vector.broadcast %squeeze3A_35 : f32 to vector<16xf32>
      %mul3A_273 = arith.mulf %mul3A_272, %get3A_246 : vector<16xf32>
      %add3A_274 = arith.addf %add3A_271, %mul3A_273 : vector<16xf32>
      %mul3A_275 = vector.broadcast %squeeze3A_37 : f32 to vector<16xf32>
      %mul3A_276 = arith.mulf %mul3A_275, %get3A_251 : vector<16xf32>
      %add3A_277 = arith.addf %add3A_274, %mul3A_276 : vector<16xf32>
      %add3A_278 = vector.broadcast %squeeze3A_47 : f32 to vector<16xf32>
      %add3A_279 = arith.addf %get3A_256, %add3A_278 : vector<16xf32>
      %mul3A_280 = vector.broadcast %squeeze3A_41 : f32 to vector<16xf32>
      %mul3A_281 = arith.mulf %mul3A_280, %get3A_241 : vector<16xf32>
      %add3A_282 = arith.addf %add3A_279, %mul3A_281 : vector<16xf32>
      %mul3A_283 = vector.broadcast %squeeze3A_43 : f32 to vector<16xf32>
      %mul3A_284 = arith.mulf %mul3A_283, %get3A_246 : vector<16xf32>
      %add3A_285 = arith.addf %add3A_282, %mul3A_284 : vector<16xf32>
      %mul3A_286 = vector.broadcast %squeeze3A_45 : f32 to vector<16xf32>
      %mul3A_287 = arith.mulf %mul3A_286, %get3A_251 : vector<16xf32>
      %add3A_288 = arith.addf %add3A_285, %mul3A_287 : vector<16xf32>
      %add3A_289 = vector.broadcast %squeeze3A_55 : f32 to vector<16xf32>
      %add3A_290 = arith.addf %get3A_256, %add3A_289 : vector<16xf32>
      %mul3A_291 = vector.broadcast %squeeze3A_49 : f32 to vector<16xf32>
      %mul3A_292 = arith.mulf %mul3A_291, %get3A_241 : vector<16xf32>
      %add3A_293 = arith.addf %add3A_290, %mul3A_292 : vector<16xf32>
      %mul3A_294 = vector.broadcast %squeeze3A_51 : f32 to vector<16xf32>
      %mul3A_295 = arith.mulf %mul3A_294, %get3A_246 : vector<16xf32>
      %add3A_296 = arith.addf %add3A_293, %mul3A_295 : vector<16xf32>
      %mul3A_297 = vector.broadcast %squeeze3A_53 : f32 to vector<16xf32>
      %mul3A_298 = arith.mulf %mul3A_297, %get3A_251 : vector<16xf32>
      %add3A_299 = arith.addf %add3A_296, %mul3A_298 : vector<16xf32>
      %add3A_300 = vector.broadcast %squeeze3A_63 : f32 to vector<16xf32>
      %add3A_301 = arith.addf %get3A_256, %add3A_300 : vector<16xf32>
      %mul3A_302 = vector.broadcast %squeeze3A_57 : f32 to vector<16xf32>
      %mul3A_303 = arith.mulf %mul3A_302, %get3A_241 : vector<16xf32>
      %add3A_304 = arith.addf %add3A_301, %mul3A_303 : vector<16xf32>
      %mul3A_305 = vector.broadcast %squeeze3A_59 : f32 to vector<16xf32>
      %mul3A_306 = arith.mulf %mul3A_305, %get3A_246 : vector<16xf32>
      %add3A_307 = arith.addf %add3A_304, %mul3A_306 : vector<16xf32>
      %mul3A_308 = vector.broadcast %squeeze3A_61 : f32 to vector<16xf32>
      %mul3A_309 = arith.mulf %mul3A_308, %get3A_251 : vector<16xf32>
      %add3A_310 = arith.addf %add3A_307, %mul3A_309 : vector<16xf32>
      %add3A_311 = vector.broadcast %squeeze3A_71 : f32 to vector<16xf32>
      %add3A_312 = arith.addf %get3A_256, %add3A_311 : vector<16xf32>
      %mul3A_313 = vector.broadcast %squeeze3A_65 : f32 to vector<16xf32>
      %mul3A_314 = arith.mulf %mul3A_313, %get3A_241 : vector<16xf32>
      %add3A_315 = arith.addf %add3A_312, %mul3A_314 : vector<16xf32>
      %mul3A_316 = vector.broadcast %squeeze3A_67 : f32 to vector<16xf32>
      %mul3A_317 = arith.mulf %mul3A_316, %get3A_246 : vector<16xf32>
      %add3A_318 = arith.addf %add3A_315, %mul3A_317 : vector<16xf32>
      %mul3A_319 = vector.broadcast %squeeze3A_69 : f32 to vector<16xf32>
      %mul3A_320 = arith.mulf %mul3A_319, %get3A_251 : vector<16xf32>
      %add3A_321 = arith.addf %add3A_318, %mul3A_320 : vector<16xf32>
      %add3A_322 = vector.broadcast %squeeze3A_79 : f32 to vector<16xf32>
      %add3A_323 = arith.addf %get3A_256, %add3A_322 : vector<16xf32>
      %mul3A_324 = vector.broadcast %squeeze3A_73 : f32 to vector<16xf32>
      %mul3A_325 = arith.mulf %mul3A_324, %get3A_241 : vector<16xf32>
      %add3A_326 = arith.addf %add3A_323, %mul3A_325 : vector<16xf32>
      %mul3A_327 = vector.broadcast %squeeze3A_75 : f32 to vector<16xf32>
      %mul3A_328 = arith.mulf %mul3A_327, %get3A_246 : vector<16xf32>
      %add3A_329 = arith.addf %add3A_326, %mul3A_328 : vector<16xf32>
      %mul3A_330 = vector.broadcast %squeeze3A_77 : f32 to vector<16xf32>
      %mul3A_331 = arith.mulf %mul3A_330, %get3A_251 : vector<16xf32>
      %add3A_332 = arith.addf %add3A_329, %mul3A_331 : vector<16xf32>
      %add3A_333 = vector.broadcast %squeeze3A_87 : f32 to vector<16xf32>
      %add3A_334 = arith.addf %get3A_256, %add3A_333 : vector<16xf32>
      %mul3A_335 = vector.broadcast %squeeze3A_81 : f32 to vector<16xf32>
      %mul3A_336 = arith.mulf %mul3A_335, %get3A_241 : vector<16xf32>
      %add3A_337 = arith.addf %add3A_334, %mul3A_336 : vector<16xf32>
      %mul3A_338 = vector.broadcast %squeeze3A_83 : f32 to vector<16xf32>
      %mul3A_339 = arith.mulf %mul3A_338, %get3A_246 : vector<16xf32>
      %add3A_340 = arith.addf %add3A_337, %mul3A_339 : vector<16xf32>
      %mul3A_341 = vector.broadcast %squeeze3A_85 : f32 to vector<16xf32>
      %mul3A_342 = arith.mulf %mul3A_341, %get3A_251 : vector<16xf32>
      %add3A_343 = arith.addf %add3A_340, %mul3A_342 : vector<16xf32>
      %min3A = arith.minimumf %add3A_266, %add3A_277 : vector<16xf32>
      %min3A_344 = arith.minimumf %min3A, %add3A_288 : vector<16xf32>
      %min3A_345 = arith.minimumf %min3A_344, %add3A_299 : vector<16xf32>
      %min3A_346 = arith.minimumf %min3A_345, %add3A_310 : vector<16xf32>
      %min3A_347 = arith.minimumf %min3A_346, %add3A_321 : vector<16xf32>
      %min3A_348 = arith.minimumf %min3A_347, %add3A_332 : vector<16xf32>
      %min3A_349 = arith.minimumf %min3A_348, %add3A_343 : vector<16xf32>
      %get3A_350 = arith.index_cast %mul3A_236 : i32 to index
      %get3A_351 = tpu.vector_load %arg8[%get3A_350] {strides = array<i32>} : memref<4096xf32, #tpu.memory_space<vmem>>, vector<16xf32>,
      %get3A_352 = vector.shape_cast %get3A_351 : vector<16xf32> to vector<16xf32>
      %min3A_353 = arith.minimumf %get3A_352, %min3A_349 : vector<16xf32>
      %swap3A_354 = arith.index_cast %mul3A_236 : i32 to index
      %swap3A_355 = tpu.vector_load %arg8[%swap3A_354] {strides = array<i32>} : memref<4096xf32, #tpu.memory_space<vmem>>, vector<16xf32>,
      %swap3A_356 = vector.shape_cast %swap3A_355 : vector<16xf32> to vector<16xf32>
      %swap3A_357 = vector.shape_cast %min3A_353 : vector<16xf32> to vector<16xf32>
      tpu.vector_store %arg8[%swap3A_354], %swap3A_357 {strides = array<i32>} : memref<4096xf32, #tpu.memory_space<vmem>>, vector<16xf32>,
      %min3A_358 = arith.minimumf %scan3A_228, %add3A_266 : vector<16xf32>
      %min3A_359 = arith.minimumf %scan3A_229, %add3A_277 : vector<16xf32>
      %min3A_360 = arith.minimumf %scan3A_230, %add3A_288 : vector<16xf32>
      %min3A_361 = arith.minimumf %scan3A_231, %add3A_299 : vector<16xf32>
      %min3A_362 = arith.minimumf %scan3A_232, %add3A_310 : vector<16xf32>
      %min3A_363 = arith.minimumf %scan3A_233, %add3A_321 : vector<16xf32>
      %min3A_364 = arith.minimumf %scan3A_234, %add3A_332 : vector<16xf32>
      %min3A_365 = arith.minimumf %scan3A_235, %add3A_343 : vector<16xf32>
      %scan3A_366 = arith.constant 1 : i32
      %scan3A_367 = arith.addi %scan3A_227, %scan3A_366 : i32
      %mul3A_368 = arith.constant 16 : i32
      %mul3A_369 = arith.muli %scan3A_367, %mul3A_368 : i32
      %get3A_370 = arith.constant 0 : i32
      %get3A_371 = arith.index_cast %get3A_370 : i32 to index
      %get3A_372 = arith.index_cast %mul3A_369 : i32 to index
      %get3A_373 = tpu.vector_load %arg7[%get3A_371, %get3A_372] {strides = array<i32>} : memref<4x4096xf32, #tpu.memory_space<vmem>>, vector<1x16xf32>,
      %get3A_374 = vector.shape_cast %get3A_373 : vector<1x16xf32> to vector<16xf32>
      %get3A_375 = arith.constant 1 : i32
      %get3A_376 = arith.index_cast %get3A_375 : i32 to index
      %get3A_377 = arith.index_cast %mul3A_369 : i32 to index
      %get3A_378 = tpu.vector_load %arg7[%get3A_376, %get3A_377] {strides = array<i32>} : memref<4x4096xf32, #tpu.memory_space<vmem>>, vector<1x16xf32>,
      %get3A_379 = vector.shape_cast %get3A_378 : vector<1x16xf32> to vector<16xf32>
      %get3A_380 = arith.constant 2 : i32
      %get3A_381 = arith.index_cast %get3A_380 : i32 to index
      %get3A_382 = arith.index_cast %mul3A_369 : i32 to index
      %get3A_383 = tpu.vector_load %arg7[%get3A_381, %get3A_382] {strides = array<i32>} : memref<4x4096xf32, #tpu.memory_space<vmem>>, vector<1x16xf32>,
      %get3A_384 = vector.shape_cast %get3A_383 : vector<1x16xf32> to vector<16xf32>
      %get3A_385 = arith.constant 3 : i32
      %get3A_386 = arith.index_cast %get3A_385 : i32 to index
      %get3A_387 = arith.index_cast %mul3A_369 : i32 to index
      %get3A_388 = tpu.vector_load %arg7[%get3A_386, %get3A_387] {strides = array<i32>} : memref<4x4096xf32, #tpu.memory_space<vmem>>, vector<1x16xf32>,
      %get3A_389 = vector.shape_cast %get3A_388 : vector<1x16xf32> to vector<16xf32>
      %add3A_390 = vector.broadcast %squeeze3A_31 : f32 to vector<16xf32>
      %add3A_391 = arith.addf %get3A_389, %add3A_390 : vector<16xf32>
      %mul3A_392 = vector.broadcast %squeeze3A : f32 to vector<16xf32>
      %mul3A_393 = arith.mulf %mul3A_392, %get3A_374 : vector<16xf32>
      %add3A_394 = arith.addf %add3A_391, %mul3A_393 : vector<16xf32>
      %mul3A_395 = vector.broadcast %squeeze3A_27 : f32 to vector<16xf32>
      %mul3A_396 = arith.mulf %mul3A_395, %get3A_379 : vector<16xf32>
      %add3A_397 = arith.addf %add3A_394, %mul3A_396 : vector<16xf32>
      %mul3A_398 = vector.broadcast %squeeze3A_29 : f32 to vector<16xf32>
      %mul3A_399 = arith.mulf %mul3A_398, %get3A_384 : vector<16xf32>
      %add3A_400 = arith.addf %add3A_397, %mul3A_399 : vector<16xf32>
      %add3A_401 = vector.broadcast %squeeze3A_39 : f32 to vector<16xf32>
      %add3A_402 = arith.addf %get3A_389, %add3A_401 : vector<16xf32>
      %mul3A_403 = vector.broadcast %squeeze3A_33 : f32 to vector<16xf32>
      %mul3A_404 = arith.mulf %mul3A_403, %get3A_374 : vector<16xf32>
      %add3A_405 = arith.addf %add3A_402, %mul3A_404 : vector<16xf32>
      %mul3A_406 = vector.broadcast %squeeze3A_35 : f32 to vector<16xf32>
      %mul3A_407 = arith.mulf %mul3A_406, %get3A_379 : vector<16xf32>
      %add3A_408 = arith.addf %add3A_405, %mul3A_407 : vector<16xf32>
      %mul3A_409 = vector.broadcast %squeeze3A_37 : f32 to vector<16xf32>
      %mul3A_410 = arith.mulf %mul3A_409, %get3A_384 : vector<16xf32>
      %add3A_411 = arith.addf %add3A_408, %mul3A_410 : vector<16xf32>
      %add3A_412 = vector.broadcast %squeeze3A_47 : f32 to vector<16xf32>
      %add3A_413 = arith.addf %get3A_389, %add3A_412 : vector<16xf32>
      %mul3A_414 = vector.broadcast %squeeze3A_41 : f32 to vector<16xf32>
      %mul3A_415 = arith.mulf %mul3A_414, %get3A_374 : vector<16xf32>
      %add3A_416 = arith.addf %add3A_413, %mul3A_415 : vector<16xf32>
      %mul3A_417 = vector.broadcast %squeeze3A_43 : f32 to vector<16xf32>
      %mul3A_418 = arith.mulf %mul3A_417, %get3A_379 : vector<16xf32>
      %add3A_419 = arith.addf %add3A_416, %mul3A_418 : vector<16xf32>
      %mul3A_420 = vector.broadcast %squeeze3A_45 : f32 to vector<16xf32>
      %mul3A_421 = arith.mulf %mul3A_420, %get3A_384 : vector<16xf32>
      %add3A_422 = arith.addf %add3A_419, %mul3A_421 : vector<16xf32>
      %add3A_423 = vector.broadcast %squeeze3A_55 : f32 to vector<16xf32>
      %add3A_424 = arith.addf %get3A_389, %add3A_423 : vector<16xf32>
      %mul3A_425 = vector.broadcast %squeeze3A_49 : f32 to vector<16xf32>
      %mul3A_426 = arith.mulf %mul3A_425, %get3A_374 : vector<16xf32>
      %add3A_427 = arith.addf %add3A_424, %mul3A_426 : vector<16xf32>
      %mul3A_428 = vector.broadcast %squeeze3A_51 : f32 to vector<16xf32>
      %mul3A_429 = arith.mulf %mul3A_428, %get3A_379 : vector<16xf32>
      %add3A_430 = arith.addf %add3A_427, %mul3A_429 : vector<16xf32>
      %mul3A_431 = vector.broadcast %squeeze3A_53 : f32 to vector<16xf32>
      %mul3A_432 = arith.mulf %mul3A_431, %get3A_384 : vector<16xf32>
      %add3A_433 = arith.addf %add3A_430, %mul3A_432 : vector<16xf32>
      %add3A_434 = vector.broadcast %squeeze3A_63 : f32 to vector<16xf32>
      %add3A_435 = arith.addf %get3A_389, %add3A_434 : vector<16xf32>
      %mul3A_436 = vector.broadcast %squeeze3A_57 : f32 to vector<16xf32>
      %mul3A_437 = arith.mulf %mul3A_436, %get3A_374 : vector<16xf32>
      %add3A_438 = arith.addf %add3A_435, %mul3A_437 : vector<16xf32>
      %mul3A_439 = vector.broadcast %squeeze3A_59 : f32 to vector<16xf32>
      %mul3A_440 = arith.mulf %mul3A_439, %get3A_379 : vector<16xf32>
      %add3A_441 = arith.addf %add3A_438, %mul3A_440 : vector<16xf32>
      %mul3A_442 = vector.broadcast %squeeze3A_61 : f32 to vector<16xf32>
      %mul3A_443 = arith.mulf %mul3A_442, %get3A_384 : vector<16xf32>
      %add3A_444 = arith.addf %add3A_441, %mul3A_443 : vector<16xf32>
      %add3A_445 = vector.broadcast %squeeze3A_71 : f32 to vector<16xf32>
      %add3A_446 = arith.addf %get3A_389, %add3A_445 : vector<16xf32>
      %mul3A_447 = vector.broadcast %squeeze3A_65 : f32 to vector<16xf32>
      %mul3A_448 = arith.mulf %mul3A_447, %get3A_374 : vector<16xf32>
      %add3A_449 = arith.addf %add3A_446, %mul3A_448 : vector<16xf32>
      %mul3A_450 = vector.broadcast %squeeze3A_67 : f32 to vector<16xf32>
      %mul3A_451 = arith.mulf %mul3A_450, %get3A_379 : vector<16xf32>
      %add3A_452 = arith.addf %add3A_449, %mul3A_451 : vector<16xf32>
      %mul3A_453 = vector.broadcast %squeeze3A_69 : f32 to vector<16xf32>
      %mul3A_454 = arith.mulf %mul3A_453, %get3A_384 : vector<16xf32>
      %add3A_455 = arith.addf %add3A_452, %mul3A_454 : vector<16xf32>
      %add3A_456 = vector.broadcast %squeeze3A_79 : f32 to vector<16xf32>
      %add3A_457 = arith.addf %get3A_389, %add3A_456 : vector<16xf32>
      %mul3A_458 = vector.broadcast %squeeze3A_73 : f32 to vector<16xf32>
      %mul3A_459 = arith.mulf %mul3A_458, %get3A_374 : vector<16xf32>
      %add3A_460 = arith.addf %add3A_457, %mul3A_459 : vector<16xf32>
      %mul3A_461 = vector.broadcast %squeeze3A_75 : f32 to vector<16xf32>
      %mul3A_462 = arith.mulf %mul3A_461, %get3A_379 : vector<16xf32>
      %add3A_463 = arith.addf %add3A_460, %mul3A_462 : vector<16xf32>
      %mul3A_464 = vector.broadcast %squeeze3A_77 : f32 to vector<16xf32>
      %mul3A_465 = arith.mulf %mul3A_464, %get3A_384 : vector<16xf32>
      %add3A_466 = arith.addf %add3A_463, %mul3A_465 : vector<16xf32>
      %add3A_467 = vector.broadcast %squeeze3A_87 : f32 to vector<16xf32>
      %add3A_468 = arith.addf %get3A_389, %add3A_467 : vector<16xf32>
      %mul3A_469 = vector.broadcast %squeeze3A_81 : f32 to vector<16xf32>
      %mul3A_470 = arith.mulf %mul3A_469, %get3A_374 : vector<16xf32>
      %add3A_471 = arith.addf %add3A_468, %mul3A_470 : vector<16xf32>
      %mul3A_472 = vector.broadcast %squeeze3A_83 : f32 to vector<16xf32>
      %mul3A_473 = arith.mulf %mul3A_472, %get3A_379 : vector<16xf32>
      %add3A_474 = arith.addf %add3A_471, %mul3A_473 : vector<16xf32>
      %mul3A_475 = vector.broadcast %squeeze3A_85 : f32 to vector<16xf32>
      %mul3A_476 = arith.mulf %mul3A_475, %get3A_384 : vector<16xf32>
      %add3A_477 = arith.addf %add3A_474, %mul3A_476 : vector<16xf32>
      %min3A_478 = arith.minimumf %add3A_400, %add3A_411 : vector<16xf32>
      %min3A_479 = arith.minimumf %min3A_478, %add3A_422 : vector<16xf32>
      %min3A_480 = arith.minimumf %min3A_479, %add3A_433 : vector<16xf32>
      %min3A_481 = arith.minimumf %min3A_480, %add3A_444 : vector<16xf32>
      %min3A_482 = arith.minimumf %min3A_481, %add3A_455 : vector<16xf32>
      %min3A_483 = arith.minimumf %min3A_482, %add3A_466 : vector<16xf32>
      %min3A_484 = arith.minimumf %min3A_483, %add3A_477 : vector<16xf32>
      %get3A_485 = arith.index_cast %mul3A_369 : i32 to index
      %get3A_486 = tpu.vector_load %arg8[%get3A_485] {strides = array<i32>} : memref<4096xf32, #tpu.memory_space<vmem>>, vector<16xf32>,
      %get3A_487 = vector.shape_cast %get3A_486 : vector<16xf32> to vector<16xf32>
      %min3A_488 = arith.minimumf %get3A_487, %min3A_484 : vector<16xf32>
      %swap3A_489 = arith.index_cast %mul3A_369 : i32 to index
      %swap3A_490 = tpu.vector_load %arg8[%swap3A_489] {strides = array<i32>} : memref<4096xf32, #tpu.memory_space<vmem>>, vector<16xf32>,
      %swap3A_491 = vector.shape_cast %swap3A_490 : vector<16xf32> to vector<16xf32>
      %swap3A_492 = vector.shape_cast %min3A_488 : vector<16xf32> to vector<16xf32>
      tpu.vector_store %arg8[%swap3A_489], %swap3A_492 {strides = array<i32>} : memref<4096xf32, #tpu.memory_space<vmem>>, vector<16xf32>,
      %min3A_493 = arith.minimumf %min3A_358, %add3A_400 : vector<16xf32>
      %min3A_494 = arith.minimumf %min3A_359, %add3A_411 : vector<16xf32>
      %min3A_495 = arith.minimumf %min3A_360, %add3A_422 : vector<16xf32>
      %min3A_496 = arith.minimumf %min3A_361, %add3A_433 : vector<16xf32>
      %min3A_497 = arith.minimumf %min3A_362, %add3A_444 : vector<16xf32>
      %min3A_498 = arith.minimumf %min3A_363, %add3A_455 : vector<16xf32>
      %min3A_499 = arith.minimumf %min3A_364, %add3A_466 : vector<16xf32>
      %min3A_500 = arith.minimumf %min3A_365, %add3A_477 : vector<16xf32>
      scf.yield %min3A_493, %min3A_494, %min3A_495, %min3A_496, %min3A_497, %min3A_498, %min3A_499, %min3A_500 : vector<16xf32>, vector<16xf32>, vector<16xf32>, vector<16xf32>, vector<16xf32>, vector<16xf32>, vector<16xf32>, vector<16xf32>
    }
    %scan3A_93 = arith.constant 256 : i32
    %swap3A = arith.constant 0 : index
    %swap3A_94 = tpu.vector_load %arg9[%swap3A] {strides = array<i32>} : memref<256xf32, #tpu.memory_space<vmem>>, vector<16xf32>,
    %swap3A_95 = vector.shape_cast %swap3A_94 : vector<16xf32> to vector<16xf32>
    %swap3A_96 = vector.shape_cast %scan3A_92#0 : vector<16xf32> to vector<16xf32>
    tpu.vector_store %arg9[%swap3A], %swap3A_96 {strides = array<i32>} : memref<256xf32, #tpu.memory_space<vmem>>, vector<16xf32>,
    %swap3A_97 = arith.constant 16 : index
    %swap3A_98 = tpu.vector_load %arg9[%swap3A_97] {strides = array<i32>} : memref<256xf32, #tpu.memory_space<vmem>>, vector<16xf32>,
    %swap3A_99 = vector.shape_cast %swap3A_98 : vector<16xf32> to vector<16xf32>
    %swap3A_100 = vector.shape_cast %scan3A_92#1 : vector<16xf32> to vector<16xf32>
    tpu.vector_store %arg9[%swap3A_97], %swap3A_100 {strides = array<i32>} : memref<256xf32, #tpu.memory_space<vmem>>, vector<16xf32>,
    %swap3A_101 = arith.constant 32 : index
    %swap3A_102 = tpu.vector_load %arg9[%swap3A_101] {strides = array<i32>} : memref<256xf32, #tpu.memory_space<vmem>>, vector<16xf32>,
    %swap3A_103 = vector.shape_cast %swap3A_102 : vector<16xf32> to vector<16xf32>
    %swap3A_104 = vector.shape_cast %scan3A_92#2 : vector<16xf32> to vector<16xf32>
    tpu.vector_store %arg9[%swap3A_101], %swap3A_104 {strides = array<i32>} : memref<256xf32, #tpu.memory_space<vmem>>, vector<16xf32>,
    %swap3A_105 = arith.constant 48 : index
    %swap3A_106 = tpu.vector_load %arg9[%swap3A_105] {strides = array<i32>} : memref<256xf32, #tpu.memory_space<vmem>>, vector<16xf32>,
    %swap3A_107 = vector.shape_cast %swap3A_106 : vector<16xf32> to vector<16xf32>
    %swap3A_108 = vector.shape_cast %scan3A_92#3 : vector<16xf32> to vector<16xf32>
    tpu.vector_store %arg9[%swap3A_105], %swap3A_108 {strides = array<i32>} : memref<256xf32, #tpu.memory_space<vmem>>, vector<16xf32>,
    %swap3A_109 = arith.constant 64 : index
    %swap3A_110 = tpu.vector_load %arg9[%swap3A_109] {strides = array<i32>} : memref<256xf32, #tpu.memory_space<vmem>>, vector<16xf32>,
    %swap3A_111 = vector.shape_cast %swap3A_110 : vector<16xf32> to vector<16xf32>
    %swap3A_112 = vector.shape_cast %scan3A_92#4 : vector<16xf32> to vector<16xf32>
    tpu.vector_store %arg9[%swap3A_109], %swap3A_112 {strides = array<i32>} : memref<256xf32, #tpu.memory_space<vmem>>, vector<16xf32>,
    %swap3A_113 = arith.constant 80 : index
    %swap3A_114 = tpu.vector_load %arg9[%swap3A_113] {strides = array<i32>} : memref<256xf32, #tpu.memory_space<vmem>>, vector<16xf32>,
    %swap3A_115 = vector.shape_cast %swap3A_114 : vector<16xf32> to vector<16xf32>
    %swap3A_116 = vector.shape_cast %scan3A_92#5 : vector<16xf32> to vector<16xf32>
    tpu.vector_store %arg9[%swap3A_113], %swap3A_116 {strides = array<i32>} : memref<256xf32, #tpu.memory_space<vmem>>, vector<16xf32>,
    %swap3A_117 = arith.constant 96 : index
    %swap3A_118 = tpu.vector_load %arg9[%swap3A_117] {strides = array<i32>} : memref<256xf32, #tpu.memory_space<vmem>>, vector<16xf32>,
    %swap3A_119 = vector.shape_cast %swap3A_118 : vector<16xf32> to vector<16xf32>
    %swap3A_120 = vector.shape_cast %scan3A_92#6 : vector<16xf32> to vector<16xf32>
    tpu.vector_store %arg9[%swap3A_117], %swap3A_120 {strides = array<i32>} : memref<256xf32, #tpu.memory_space<vmem>>, vector<16xf32>,
    %swap3A_121 = arith.constant 112 : index
    %swap3A_122 = tpu.vector_load %arg9[%swap3A_121] {strides = array<i32>} : memref<256xf32, #tpu.memory_space<vmem>>, vector<16xf32>,
    %swap3A_123 = vector.shape_cast %swap3A_122 : vector<16xf32> to vector<16xf32>
    %swap3A_124 = vector.shape_cast %scan3A_92#7 : vector<16xf32> to vector<16xf32>
    tpu.vector_store %arg9[%swap3A_121], %swap3A_124 {strides = array<i32>} : memref<256xf32, #tpu.memory_space<vmem>>, vector<16xf32>,
    %slice3A_125 = vector.extract_strided_slice %get3A_10 {offsets = [8], sizes = [1], strides = [1]} : vector<16xf32> to vector<1xf32>
    %squeeze3A_126 = vector.extract %slice3A_125[0] : f32 from vector<1xf32>
    %slice3A_127 = vector.extract_strided_slice %get3A_15 {offsets = [8], sizes = [1], strides = [1]} : vector<16xf32> to vector<1xf32>
    %squeeze3A_128 = vector.extract %slice3A_127[0] : f32 from vector<1xf32>
    %slice3A_129 = vector.extract_strided_slice %get3A_20 {offsets = [8], sizes = [1], strides = [1]} : vector<16xf32> to vector<1xf32>
    %squeeze3A_130 = vector.extract %slice3A_129[0] : f32 from vector<1xf32>
    %slice3A_131 = vector.extract_strided_slice %get3A_25 {offsets = [8], sizes = [1], strides = [1]} : vector<16xf32> to vector<1xf32>
    %squeeze3A_132 = vector.extract %slice3A_131[0] : f32 from vector<1xf32>
    %slice3A_133 = vector.extract_strided_slice %get3A_10 {offsets = [9], sizes = [1], strides = [1]} : vector<16xf32> to vector<1xf32>
    %squeeze3A_134 = vector.extract %slice3A_133[0] : f32 from vector<1xf32>
    %slice3A_135 = vector.extract_strided_slice %get3A_15 {offsets = [9], sizes = [1], strides = [1]} : vector<16xf32> to vector<1xf32>
    %squeeze3A_136 = vector.extract %slice3A_135[0] : f32 from vector<1xf32>
    %slice3A_137 = vector.extract_strided_slice %get3A_20 {offsets = [9], sizes = [1], strides = [1]} : vector<16xf32> to vector<1xf32>
    %squeeze3A_138 = vector.extract %slice3A_137[0] : f32 from vector<1xf32>
    %slice3A_139 = vector.extract_strided_slice %get3A_25 {offsets = [9], sizes = [1], strides = [1]} : vector<16xf32> to vector<1xf32>
    %squeeze3A_140 = vector.extract %slice3A_139[0] : f32 from vector<1xf32>
    %slice3A_141 = vector.extract_strided_slice %get3A_10 {offsets = [10], sizes = [1], strides = [1]} : vector<16xf32> to vector<1xf32>
    %squeeze3A_142 = vector.extract %slice3A_141[0] : f32 from vector<1xf32>
    %slice3A_143 = vector.extract_strided_slice %get3A_15 {offsets = [10], sizes = [1], strides = [1]} : vector<16xf32> to vector<1xf32>
    %squeeze3A_144 = vector.extract %slice3A_143[0] : f32 from vector<1xf32>
    %slice3A_145 = vector.extract_strided_slice %get3A_20 {offsets = [10], sizes = [1], strides = [1]} : vector<16xf32> to vector<1xf32>
    %squeeze3A_146 = vector.extract %slice3A_145[0] : f32 from vector<1xf32>
    %slice3A_147 = vector.extract_strided_slice %get3A_25 {offsets = [10], sizes = [1], strides = [1]} : vector<16xf32> to vector<1xf32>
    %squeeze3A_148 = vector.extract %slice3A_147[0] : f32 from vector<1xf32>
    %slice3A_149 = vector.extract_strided_slice %get3A_10 {offsets = [11], sizes = [1], strides = [1]} : vector<16xf32> to vector<1xf32>
    %squeeze3A_150 = vector.extract %slice3A_149[0] : f32 from vector<1xf32>
    %slice3A_151 = vector.extract_strided_slice %get3A_15 {offsets = [11], sizes = [1], strides = [1]} : vector<16xf32> to vector<1xf32>
    %squeeze3A_152 = vector.extract %slice3A_151[0] : f32 from vector<1xf32>
    %slice3A_153 = vector.extract_strided_slice %get3A_20 {offsets = [11], sizes = [1], strides = [1]} : vector<16xf32> to vector<1xf32>
    %squeeze3A_154 = vector.extract %slice3A_153[0] : f32 from vector<1xf32>
    %slice3A_155 = vector.extract_strided_slice %get3A_25 {offsets = [11], sizes = [1], strides = [1]} : vector<16xf32> to vector<1xf32>
    %squeeze3A_156 = vector.extract %slice3A_155[0] : f32 from vector<1xf32>
    %slice3A_157 = vector.extract_strided_slice %get3A_10 {offsets = [12], sizes = [1], strides = [1]} : vector<16xf32> to vector<1xf32>
    %squeeze3A_158 = vector.extract %slice3A_157[0] : f32 from vector<1xf32>
    %slice3A_159 = vector.extract_strided_slice %get3A_15 {offsets = [12], sizes = [1], strides = [1]} : vector<16xf32> to vector<1xf32>
    %squeeze3A_160 = vector.extract %slice3A_159[0] : f32 from vector<1xf32>
    %slice3A_161 = vector.extract_strided_slice %get3A_20 {offsets = [12], sizes = [1], strides = [1]} : vector<16xf32> to vector<1xf32>
    %squeeze3A_162 = vector.extract %slice3A_161[0] : f32 from vector<1xf32>
    %slice3A_163 = vector.extract_strided_slice %get3A_25 {offsets = [12], sizes = [1], strides = [1]} : vector<16xf32> to vector<1xf32>
    %squeeze3A_164 = vector.extract %slice3A_163[0] : f32 from vector<1xf32>
    %slice3A_165 = vector.extract_strided_slice %get3A_10 {offsets = [13], sizes = [1], strides = [1]} : vector<16xf32> to vector<1xf32>
    %squeeze3A_166 = vector.extract %slice3A_165[0] : f32 from vector<1xf32>
    %slice3A_167 = vector.extract_strided_slice %get3A_15 {offsets = [13], sizes = [1], strides = [1]} : vector<16xf32> to vector<1xf32>
    %squeeze3A_168 = vector.extract %slice3A_167[0] : f32 from vector<1xf32>
    %slice3A_169 = vector.extract_strided_slice %get3A_20 {offsets = [13], sizes = [1], strides = [1]} : vector<16xf32> to vector<1xf32>
    %squeeze3A_170 = vector.extract %slice3A_169[0] : f32 from vector<1xf32>
    %slice3A_171 = vector.extract_strided_slice %get3A_25 {offsets = [13], sizes = [1], strides = [1]} : vector<16xf32> to vector<1xf32>
    %squeeze3A_172 = vector.extract %slice3A_171[0] : f32 from vector<1xf32>
    %slice3A_173 = vector.extract_strided_slice %get3A_10 {offsets = [14], sizes = [1], strides = [1]} : vector<16xf32> to vector<1xf32>
    %squeeze3A_174 = vector.extract %slice3A_173[0] : f32 from vector<1xf32>
    %slice3A_175 = vector.extract_strided_slice %get3A_15 {offsets = [14], sizes = [1], strides = [1]} : vector<16xf32> to vector<1xf32>
    %squeeze3A_176 = vector.extract %slice3A_175[0] : f32 from vector<1xf32>
    %slice3A_177 = vector.extract_strided_slice %get3A_20 {offsets = [14], sizes = [1], strides = [1]} : vector<16xf32> to vector<1xf32>
    %squeeze3A_178 = vector.extract %slice3A_177[0] : f32 from vector<1xf32>
    %slice3A_179 = vector.extract_strided_slice %get3A_25 {offsets = [14], sizes = [1], strides = [1]} : vector<16xf32> to vector<1xf32>
    %squeeze3A_180 = vector.extract %slice3A_179[0] : f32 from vector<1xf32>
    %slice3A_181 = vector.extract_strided_slice %get3A_10 {offsets = [15], sizes = [1], strides = [1]} : vector<16xf32> to vector<1xf32>
    %squeeze3A_182 = vector.extract %slice3A_181[0] : f32 from vector<1xf32>
    %slice3A_183 = vector.extract_strided_slice %get3A_15 {offsets = [15], sizes = [1], strides = [1]} : vector<16xf32> to vector<1xf32>
    %squeeze3A_184 = vector.extract %slice3A_183[0] : f32 from vector<1xf32>
    %slice3A_185 = vector.extract_strided_slice %get3A_20 {offsets = [15], sizes = [1], strides = [1]} : vector<16xf32> to vector<1xf32>
    %squeeze3A_186 = vector.extract %slice3A_185[0] : f32 from vector<1xf32>
    %slice3A_187 = vector.extract_strided_slice %get3A_25 {offsets = [15], sizes = [1], strides = [1]} : vector<16xf32> to vector<1xf32>
    %squeeze3A_188 = vector.extract %slice3A_187[0] : f32 from vector<1xf32>
    %scan3A_189 = arith.constant 0 : i32
    %scan3A_190 = arith.constant 256 : i32
    %scan3A_191 = arith.addi %scan3A_189, %scan3A_190 : i32
    %scan3A_192 = arith.constant 2 : i32
    %scan3A_193:8 = scf.for %scan3A_227 = %scan3A_189 to %scan3A_191 step %scan3A_192 iter_args(%scan3A_228 = %broadcast_in_dim3A_0, %scan3A_229 = %broadcast_in_dim3A_0, %scan3A_230 = %broadcast_in_dim3A_0, %scan3A_231 = %broadcast_in_dim3A_0, %scan3A_232 = %broadcast_in_dim3A_0, %scan3A_233 = %broadcast_in_dim3A_0, %scan3A_234 = %broadcast_in_dim3A_0, %scan3A_235 = %broadcast_in_dim3A_0) -> (vector<16xf32>, vector<16xf32>, vector<16xf32>, vector<16xf32>, vector<16xf32>, vector<16xf32>, vector<16xf32>, vector<16xf32>)  : i32 {
      %mul3A = arith.constant 16 : i32
      %mul3A_236 = arith.muli %scan3A_227, %mul3A : i32
      %get3A_237 = arith.constant 0 : i32
      %get3A_238 = arith.index_cast %get3A_237 : i32 to index
      %get3A_239 = arith.index_cast %mul3A_236 : i32 to index
      %get3A_240 = tpu.vector_load %arg7[%get3A_238, %get3A_239] {strides = array<i32>} : memref<4x4096xf32, #tpu.memory_space<vmem>>, vector<1x16xf32>,
      %get3A_241 = vector.shape_cast %get3A_240 : vector<1x16xf32> to vector<16xf32>
      %get3A_242 = arith.constant 1 : i32
      %get3A_243 = arith.index_cast %get3A_242 : i32 to index
      %get3A_244 = arith.index_cast %mul3A_236 : i32 to index
      %get3A_245 = tpu.vector_load %arg7[%get3A_243, %get3A_244] {strides = array<i32>} : memref<4x4096xf32, #tpu.memory_space<vmem>>, vector<1x16xf32>,
      %get3A_246 = vector.shape_cast %get3A_245 : vector<1x16xf32> to vector<16xf32>
      %get3A_247 = arith.constant 2 : i32
      %get3A_248 = arith.index_cast %get3A_247 : i32 to index
      %get3A_249 = arith.index_cast %mul3A_236 : i32 to index
      %get3A_250 = tpu.vector_load %arg7[%get3A_248, %get3A_249] {strides = array<i32>} : memref<4x4096xf32, #tpu.memory_space<vmem>>, vector<1x16xf32>,
      %get3A_251 = vector.shape_cast %get3A_250 : vector<1x16xf32> to vector<16xf32>
      %get3A_252 = arith.constant 3 : i32
      %get3A_253 = arith.index_cast %get3A_252 : i32 to index
      %get3A_254 = arith.index_cast %mul3A_236 : i32 to index
      %get3A_255 = tpu.vector_load %arg7[%get3A_253, %get3A_254] {strides = array<i32>} : memref<4x4096xf32, #tpu.memory_space<vmem>>, vector<1x16xf32>,
      %get3A_256 = vector.shape_cast %get3A_255 : vector<1x16xf32> to vector<16xf32>
      %add3A = vector.broadcast %squeeze3A_132 : f32 to vector<16xf32>
      %add3A_257 = arith.addf %get3A_256, %add3A : vector<16xf32>
      %mul3A_258 = vector.broadcast %squeeze3A_126 : f32 to vector<16xf32>
      %mul3A_259 = arith.mulf %mul3A_258, %get3A_241 : vector<16xf32>
      %add3A_260 = arith.addf %add3A_257, %mul3A_259 : vector<16xf32>
      %mul3A_261 = vector.broadcast %squeeze3A_128 : f32 to vector<16xf32>
      %mul3A_262 = arith.mulf %mul3A_261, %get3A_246 : vector<16xf32>
      %add3A_263 = arith.addf %add3A_260, %mul3A_262 : vector<16xf32>
      %mul3A_264 = vector.broadcast %squeeze3A_130 : f32 to vector<16xf32>
      %mul3A_265 = arith.mulf %mul3A_264, %get3A_251 : vector<16xf32>
      %add3A_266 = arith.addf %add3A_263, %mul3A_265 : vector<16xf32>
      %add3A_267 = vector.broadcast %squeeze3A_140 : f32 to vector<16xf32>
      %add3A_268 = arith.addf %get3A_256, %add3A_267 : vector<16xf32>
      %mul3A_269 = vector.broadcast %squeeze3A_134 : f32 to vector<16xf32>
      %mul3A_270 = arith.mulf %mul3A_269, %get3A_241 : vector<16xf32>
      %add3A_271 = arith.addf %add3A_268, %mul3A_270 : vector<16xf32>
      %mul3A_272 = vector.broadcast %squeeze3A_136 : f32 to vector<16xf32>
      %mul3A_273 = arith.mulf %mul3A_272, %get3A_246 : vector<16xf32>
      %add3A_274 = arith.addf %add3A_271, %mul3A_273 : vector<16xf32>
      %mul3A_275 = vector.broadcast %squeeze3A_138 : f32 to vector<16xf32>
      %mul3A_276 = arith.mulf %mul3A_275, %get3A_251 : vector<16xf32>
      %add3A_277 = arith.addf %add3A_274, %mul3A_276 : vector<16xf32>
      %add3A_278 = vector.broadcast %squeeze3A_148 : f32 to vector<16xf32>
      %add3A_279 = arith.addf %get3A_256, %add3A_278 : vector<16xf32>
      %mul3A_280 = vector.broadcast %squeeze3A_142 : f32 to vector<16xf32>
      %mul3A_281 = arith.mulf %mul3A_280, %get3A_241 : vector<16xf32>
      %add3A_282 = arith.addf %add3A_279, %mul3A_281 : vector<16xf32>
      %mul3A_283 = vector.broadcast %squeeze3A_144 : f32 to vector<16xf32>
      %mul3A_284 = arith.mulf %mul3A_283, %get3A_246 : vector<16xf32>
      %add3A_285 = arith.addf %add3A_282, %mul3A_284 : vector<16xf32>
      %mul3A_286 = vector.broadcast %squeeze3A_146 : f32 to vector<16xf32>
      %mul3A_287 = arith.mulf %mul3A_286, %get3A_251 : vector<16xf32>
      %add3A_288 = arith.addf %add3A_285, %mul3A_287 : vector<16xf32>
      %add3A_289 = vector.broadcast %squeeze3A_156 : f32 to vector<16xf32>
      %add3A_290 = arith.addf %get3A_256, %add3A_289 : vector<16xf32>
      %mul3A_291 = vector.broadcast %squeeze3A_150 : f32 to vector<16xf32>
      %mul3A_292 = arith.mulf %mul3A_291, %get3A_241 : vector<16xf32>
      %add3A_293 = arith.addf %add3A_290, %mul3A_292 : vector<16xf32>
      %mul3A_294 = vector.broadcast %squeeze3A_152 : f32 to vector<16xf32>
      %mul3A_295 = arith.mulf %mul3A_294, %get3A_246 : vector<16xf32>
      %add3A_296 = arith.addf %add3A_293, %mul3A_295 : vector<16xf32>
      %mul3A_297 = vector.broadcast %squeeze3A_154 : f32 to vector<16xf32>
      %mul3A_298 = arith.mulf %mul3A_297, %get3A_251 : vector<16xf32>
      %add3A_299 = arith.addf %add3A_296, %mul3A_298 : vector<16xf32>
      %add3A_300 = vector.broadcast %squeeze3A_164 : f32 to vector<16xf32>
      %add3A_301 = arith.addf %get3A_256, %add3A_300 : vector<16xf32>
      %mul3A_302 = vector.broadcast %squeeze3A_158 : f32 to vector<16xf32>
      %mul3A_303 = arith.mulf %mul3A_302, %get3A_241 : vector<16xf32>
      %add3A_304 = arith.addf %add3A_301, %mul3A_303 : vector<16xf32>
      %mul3A_305 = vector.broadcast %squeeze3A_160 : f32 to vector<16xf32>
      %mul3A_306 = arith.mulf %mul3A_305, %get3A_246 : vector<16xf32>
      %add3A_307 = arith.addf %add3A_304, %mul3A_306 : vector<16xf32>
      %mul3A_308 = vector.broadcast %squeeze3A_162 : f32 to vector<16xf32>
      %mul3A_309 = arith.mulf %mul3A_308, %get3A_251 : vector<16xf32>
      %add3A_310 = arith.addf %add3A_307, %mul3A_309 : vector<16xf32>
      %add3A_311 = vector.broadcast %squeeze3A_172 : f32 to vector<16xf32>
      %add3A_312 = arith.addf %get3A_256, %add3A_311 : vector<16xf32>
      %mul3A_313 = vector.broadcast %squeeze3A_166 : f32 to vector<16xf32>
      %mul3A_314 = arith.mulf %mul3A_313, %get3A_241 : vector<16xf32>
      %add3A_315 = arith.addf %add3A_312, %mul3A_314 : vector<16xf32>
      %mul3A_316 = vector.broadcast %squeeze3A_168 : f32 to vector<16xf32>
      %mul3A_317 = arith.mulf %mul3A_316, %get3A_246 : vector<16xf32>
      %add3A_318 = arith.addf %add3A_315, %mul3A_317 : vector<16xf32>
      %mul3A_319 = vector.broadcast %squeeze3A_170 : f32 to vector<16xf32>
      %mul3A_320 = arith.mulf %mul3A_319, %get3A_251 : vector<16xf32>
      %add3A_321 = arith.addf %add3A_318, %mul3A_320 : vector<16xf32>
      %add3A_322 = vector.broadcast %squeeze3A_180 : f32 to vector<16xf32>
      %add3A_323 = arith.addf %get3A_256, %add3A_322 : vector<16xf32>
      %mul3A_324 = vector.broadcast %squeeze3A_174 : f32 to vector<16xf32>
      %mul3A_325 = arith.mulf %mul3A_324, %get3A_241 : vector<16xf32>
      %add3A_326 = arith.addf %add3A_323, %mul3A_325 : vector<16xf32>
      %mul3A_327 = vector.broadcast %squeeze3A_176 : f32 to vector<16xf32>
      %mul3A_328 = arith.mulf %mul3A_327, %get3A_246 : vector<16xf32>
      %add3A_329 = arith.addf %add3A_326, %mul3A_328 : vector<16xf32>
      %mul3A_330 = vector.broadcast %squeeze3A_178 : f32 to vector<16xf32>
      %mul3A_331 = arith.mulf %mul3A_330, %get3A_251 : vector<16xf32>
      %add3A_332 = arith.addf %add3A_329, %mul3A_331 : vector<16xf32>
      %add3A_333 = vector.broadcast %squeeze3A_188 : f32 to vector<16xf32>
      %add3A_334 = arith.addf %get3A_256, %add3A_333 : vector<16xf32>
      %mul3A_335 = vector.broadcast %squeeze3A_182 : f32 to vector<16xf32>
      %mul3A_336 = arith.mulf %mul3A_335, %get3A_241 : vector<16xf32>
      %add3A_337 = arith.addf %add3A_334, %mul3A_336 : vector<16xf32>
      %mul3A_338 = vector.broadcast %squeeze3A_184 : f32 to vector<16xf32>
      %mul3A_339 = arith.mulf %mul3A_338, %get3A_246 : vector<16xf32>
      %add3A_340 = arith.addf %add3A_337, %mul3A_339 : vector<16xf32>
      %mul3A_341 = vector.broadcast %squeeze3A_186 : f32 to vector<16xf32>
      %mul3A_342 = arith.mulf %mul3A_341, %get3A_251 : vector<16xf32>
      %add3A_343 = arith.addf %add3A_340, %mul3A_342 : vector<16xf32>
      %min3A = arith.minimumf %add3A_266, %add3A_277 : vector<16xf32>
      %min3A_344 = arith.minimumf %min3A, %add3A_288 : vector<16xf32>
      %min3A_345 = arith.minimumf %min3A_344, %add3A_299 : vector<16xf32>
      %min3A_346 = arith.minimumf %min3A_345, %add3A_310 : vector<16xf32>
      %min3A_347 = arith.minimumf %min3A_346, %add3A_321 : vector<16xf32>
      %min3A_348 = arith.minimumf %min3A_347, %add3A_332 : vector<16xf32>
      %min3A_349 = arith.minimumf %min3A_348, %add3A_343 : vector<16xf32>
      %get3A_350 = arith.index_cast %mul3A_236 : i32 to index
      %get3A_351 = tpu.vector_load %arg8[%get3A_350] {strides = array<i32>} : memref<4096xf32, #tpu.memory_space<vmem>>, vector<16xf32>,
      %get3A_352 = vector.shape_cast %get3A_351 : vector<16xf32> to vector<16xf32>
      %min3A_353 = arith.minimumf %get3A_352, %min3A_349 : vector<16xf32>
      %swap3A_354 = arith.index_cast %mul3A_236 : i32 to index
      %swap3A_355 = tpu.vector_load %arg8[%swap3A_354] {strides = array<i32>} : memref<4096xf32, #tpu.memory_space<vmem>>, vector<16xf32>,
      %swap3A_356 = vector.shape_cast %swap3A_355 : vector<16xf32> to vector<16xf32>
      %swap3A_357 = vector.shape_cast %min3A_353 : vector<16xf32> to vector<16xf32>
      tpu.vector_store %arg8[%swap3A_354], %swap3A_357 {strides = array<i32>} : memref<4096xf32, #tpu.memory_space<vmem>>, vector<16xf32>,
      %min3A_358 = arith.minimumf %scan3A_228, %add3A_266 : vector<16xf32>
      %min3A_359 = arith.minimumf %scan3A_229, %add3A_277 : vector<16xf32>
      %min3A_360 = arith.minimumf %scan3A_230, %add3A_288 : vector<16xf32>
      %min3A_361 = arith.minimumf %scan3A_231, %add3A_299 : vector<16xf32>
      %min3A_362 = arith.minimumf %scan3A_232, %add3A_310 : vector<16xf32>
      %min3A_363 = arith.minimumf %scan3A_233, %add3A_321 : vector<16xf32>
      %min3A_364 = arith.minimumf %scan3A_234, %add3A_332 : vector<16xf32>
      %min3A_365 = arith.minimumf %scan3A_235, %add3A_343 : vector<16xf32>
      %scan3A_366 = arith.constant 1 : i32
      %scan3A_367 = arith.addi %scan3A_227, %scan3A_366 : i32
      %mul3A_368 = arith.constant 16 : i32
      %mul3A_369 = arith.muli %scan3A_367, %mul3A_368 : i32
      %get3A_370 = arith.constant 0 : i32
      %get3A_371 = arith.index_cast %get3A_370 : i32 to index
      %get3A_372 = arith.index_cast %mul3A_369 : i32 to index
      %get3A_373 = tpu.vector_load %arg7[%get3A_371, %get3A_372] {strides = array<i32>} : memref<4x4096xf32, #tpu.memory_space<vmem>>, vector<1x16xf32>,
      %get3A_374 = vector.shape_cast %get3A_373 : vector<1x16xf32> to vector<16xf32>
      %get3A_375 = arith.constant 1 : i32
      %get3A_376 = arith.index_cast %get3A_375 : i32 to index
      %get3A_377 = arith.index_cast %mul3A_369 : i32 to index
      %get3A_378 = tpu.vector_load %arg7[%get3A_376, %get3A_377] {strides = array<i32>} : memref<4x4096xf32, #tpu.memory_space<vmem>>, vector<1x16xf32>,
      %get3A_379 = vector.shape_cast %get3A_378 : vector<1x16xf32> to vector<16xf32>
      %get3A_380 = arith.constant 2 : i32
      %get3A_381 = arith.index_cast %get3A_380 : i32 to index
      %get3A_382 = arith.index_cast %mul3A_369 : i32 to index
      %get3A_383 = tpu.vector_load %arg7[%get3A_381, %get3A_382] {strides = array<i32>} : memref<4x4096xf32, #tpu.memory_space<vmem>>, vector<1x16xf32>,
      %get3A_384 = vector.shape_cast %get3A_383 : vector<1x16xf32> to vector<16xf32>
      %get3A_385 = arith.constant 3 : i32
      %get3A_386 = arith.index_cast %get3A_385 : i32 to index
      %get3A_387 = arith.index_cast %mul3A_369 : i32 to index
      %get3A_388 = tpu.vector_load %arg7[%get3A_386, %get3A_387] {strides = array<i32>} : memref<4x4096xf32, #tpu.memory_space<vmem>>, vector<1x16xf32>,
      %get3A_389 = vector.shape_cast %get3A_388 : vector<1x16xf32> to vector<16xf32>
      %add3A_390 = vector.broadcast %squeeze3A_132 : f32 to vector<16xf32>
      %add3A_391 = arith.addf %get3A_389, %add3A_390 : vector<16xf32>
      %mul3A_392 = vector.broadcast %squeeze3A_126 : f32 to vector<16xf32>
      %mul3A_393 = arith.mulf %mul3A_392, %get3A_374 : vector<16xf32>
      %add3A_394 = arith.addf %add3A_391, %mul3A_393 : vector<16xf32>
      %mul3A_395 = vector.broadcast %squeeze3A_128 : f32 to vector<16xf32>
      %mul3A_396 = arith.mulf %mul3A_395, %get3A_379 : vector<16xf32>
      %add3A_397 = arith.addf %add3A_394, %mul3A_396 : vector<16xf32>
      %mul3A_398 = vector.broadcast %squeeze3A_130 : f32 to vector<16xf32>
      %mul3A_399 = arith.mulf %mul3A_398, %get3A_384 : vector<16xf32>
      %add3A_400 = arith.addf %add3A_397, %mul3A_399 : vector<16xf32>
      %add3A_401 = vector.broadcast %squeeze3A_140 : f32 to vector<16xf32>
      %add3A_402 = arith.addf %get3A_389, %add3A_401 : vector<16xf32>
      %mul3A_403 = vector.broadcast %squeeze3A_134 : f32 to vector<16xf32>
      %mul3A_404 = arith.mulf %mul3A_403, %get3A_374 : vector<16xf32>
      %add3A_405 = arith.addf %add3A_402, %mul3A_404 : vector<16xf32>
      %mul3A_406 = vector.broadcast %squeeze3A_136 : f32 to vector<16xf32>
      %mul3A_407 = arith.mulf %mul3A_406, %get3A_379 : vector<16xf32>
      %add3A_408 = arith.addf %add3A_405, %mul3A_407 : vector<16xf32>
      %mul3A_409 = vector.broadcast %squeeze3A_138 : f32 to vector<16xf32>
      %mul3A_410 = arith.mulf %mul3A_409, %get3A_384 : vector<16xf32>
      %add3A_411 = arith.addf %add3A_408, %mul3A_410 : vector<16xf32>
      %add3A_412 = vector.broadcast %squeeze3A_148 : f32 to vector<16xf32>
      %add3A_413 = arith.addf %get3A_389, %add3A_412 : vector<16xf32>
      %mul3A_414 = vector.broadcast %squeeze3A_142 : f32 to vector<16xf32>
      %mul3A_415 = arith.mulf %mul3A_414, %get3A_374 : vector<16xf32>
      %add3A_416 = arith.addf %add3A_413, %mul3A_415 : vector<16xf32>
      %mul3A_417 = vector.broadcast %squeeze3A_144 : f32 to vector<16xf32>
      %mul3A_418 = arith.mulf %mul3A_417, %get3A_379 : vector<16xf32>
      %add3A_419 = arith.addf %add3A_416, %mul3A_418 : vector<16xf32>
      %mul3A_420 = vector.broadcast %squeeze3A_146 : f32 to vector<16xf32>
      %mul3A_421 = arith.mulf %mul3A_420, %get3A_384 : vector<16xf32>
      %add3A_422 = arith.addf %add3A_419, %mul3A_421 : vector<16xf32>
      %add3A_423 = vector.broadcast %squeeze3A_156 : f32 to vector<16xf32>
      %add3A_424 = arith.addf %get3A_389, %add3A_423 : vector<16xf32>
      %mul3A_425 = vector.broadcast %squeeze3A_150 : f32 to vector<16xf32>
      %mul3A_426 = arith.mulf %mul3A_425, %get3A_374 : vector<16xf32>
      %add3A_427 = arith.addf %add3A_424, %mul3A_426 : vector<16xf32>
      %mul3A_428 = vector.broadcast %squeeze3A_152 : f32 to vector<16xf32>
      %mul3A_429 = arith.mulf %mul3A_428, %get3A_379 : vector<16xf32>
      %add3A_430 = arith.addf %add3A_427, %mul3A_429 : vector<16xf32>
      %mul3A_431 = vector.broadcast %squeeze3A_154 : f32 to vector<16xf32>
      %mul3A_432 = arith.mulf %mul3A_431, %get3A_384 : vector<16xf32>
      %add3A_433 = arith.addf %add3A_430, %mul3A_432 : vector<16xf32>
      %add3A_434 = vector.broadcast %squeeze3A_164 : f32 to vector<16xf32>
      %add3A_435 = arith.addf %get3A_389, %add3A_434 : vector<16xf32>
      %mul3A_436 = vector.broadcast %squeeze3A_158 : f32 to vector<16xf32>
      %mul3A_437 = arith.mulf %mul3A_436, %get3A_374 : vector<16xf32>
      %add3A_438 = arith.addf %add3A_435, %mul3A_437 : vector<16xf32>
      %mul3A_439 = vector.broadcast %squeeze3A_160 : f32 to vector<16xf32>
      %mul3A_440 = arith.mulf %mul3A_439, %get3A_379 : vector<16xf32>
      %add3A_441 = arith.addf %add3A_438, %mul3A_440 : vector<16xf32>
      %mul3A_442 = vector.broadcast %squeeze3A_162 : f32 to vector<16xf32>
      %mul3A_443 = arith.mulf %mul3A_442, %get3A_384 : vector<16xf32>
      %add3A_444 = arith.addf %add3A_441, %mul3A_443 : vector<16xf32>
      %add3A_445 = vector.broadcast %squeeze3A_172 : f32 to vector<16xf32>
      %add3A_446 = arith.addf %get3A_389, %add3A_445 : vector<16xf32>
      %mul3A_447 = vector.broadcast %squeeze3A_166 : f32 to vector<16xf32>
      %mul3A_448 = arith.mulf %mul3A_447, %get3A_374 : vector<16xf32>
      %add3A_449 = arith.addf %add3A_446, %mul3A_448 : vector<16xf32>
      %mul3A_450 = vector.broadcast %squeeze3A_168 : f32 to vector<16xf32>
      %mul3A_451 = arith.mulf %mul3A_450, %get3A_379 : vector<16xf32>
      %add3A_452 = arith.addf %add3A_449, %mul3A_451 : vector<16xf32>
      %mul3A_453 = vector.broadcast %squeeze3A_170 : f32 to vector<16xf32>
      %mul3A_454 = arith.mulf %mul3A_453, %get3A_384 : vector<16xf32>
      %add3A_455 = arith.addf %add3A_452, %mul3A_454 : vector<16xf32>
      %add3A_456 = vector.broadcast %squeeze3A_180 : f32 to vector<16xf32>
      %add3A_457 = arith.addf %get3A_389, %add3A_456 : vector<16xf32>
      %mul3A_458 = vector.broadcast %squeeze3A_174 : f32 to vector<16xf32>
      %mul3A_459 = arith.mulf %mul3A_458, %get3A_374 : vector<16xf32>
      %add3A_460 = arith.addf %add3A_457, %mul3A_459 : vector<16xf32>
      %mul3A_461 = vector.broadcast %squeeze3A_176 : f32 to vector<16xf32>
      %mul3A_462 = arith.mulf %mul3A_461, %get3A_379 : vector<16xf32>
      %add3A_463 = arith.addf %add3A_460, %mul3A_462 : vector<16xf32>
      %mul3A_464 = vector.broadcast %squeeze3A_178 : f32 to vector<16xf32>
      %mul3A_465 = arith.mulf %mul3A_464, %get3A_384 : vector<16xf32>
      %add3A_466 = arith.addf %add3A_463, %mul3A_465 : vector<16xf32>
      %add3A_467 = vector.broadcast %squeeze3A_188 : f32 to vector<16xf32>
      %add3A_468 = arith.addf %get3A_389, %add3A_467 : vector<16xf32>
      %mul3A_469 = vector.broadcast %squeeze3A_182 : f32 to vector<16xf32>
      %mul3A_470 = arith.mulf %mul3A_469, %get3A_374 : vector<16xf32>
      %add3A_471 = arith.addf %add3A_468, %mul3A_470 : vector<16xf32>
      %mul3A_472 = vector.broadcast %squeeze3A_184 : f32 to vector<16xf32>
      %mul3A_473 = arith.mulf %mul3A_472, %get3A_379 : vector<16xf32>
      %add3A_474 = arith.addf %add3A_471, %mul3A_473 : vector<16xf32>
      %mul3A_475 = vector.broadcast %squeeze3A_186 : f32 to vector<16xf32>
      %mul3A_476 = arith.mulf %mul3A_475, %get3A_384 : vector<16xf32>
      %add3A_477 = arith.addf %add3A_474, %mul3A_476 : vector<16xf32>
      %min3A_478 = arith.minimumf %add3A_400, %add3A_411 : vector<16xf32>
      %min3A_479 = arith.minimumf %min3A_478, %add3A_422 : vector<16xf32>
      %min3A_480 = arith.minimumf %min3A_479, %add3A_433 : vector<16xf32>
      %min3A_481 = arith.minimumf %min3A_480, %add3A_444 : vector<16xf32>
      %min3A_482 = arith.minimumf %min3A_481, %add3A_455 : vector<16xf32>
      %min3A_483 = arith.minimumf %min3A_482, %add3A_466 : vector<16xf32>
      %min3A_484 = arith.minimumf %min3A_483, %add3A_477 : vector<16xf32>
      %get3A_485 = arith.index_cast %mul3A_369 : i32 to index
      %get3A_486 = tpu.vector_load %arg8[%get3A_485] {strides = array<i32>} : memref<4096xf32, #tpu.memory_space<vmem>>, vector<16xf32>,
      %get3A_487 = vector.shape_cast %get3A_486 : vector<16xf32> to vector<16xf32>
      %min3A_488 = arith.minimumf %get3A_487, %min3A_484 : vector<16xf32>
      %swap3A_489 = arith.index_cast %mul3A_369 : i32 to index
      %swap3A_490 = tpu.vector_load %arg8[%swap3A_489] {strides = array<i32>} : memref<4096xf32, #tpu.memory_space<vmem>>, vector<16xf32>,
      %swap3A_491 = vector.shape_cast %swap3A_490 : vector<16xf32> to vector<16xf32>
      %swap3A_492 = vector.shape_cast %min3A_488 : vector<16xf32> to vector<16xf32>
      tpu.vector_store %arg8[%swap3A_489], %swap3A_492 {strides = array<i32>} : memref<4096xf32, #tpu.memory_space<vmem>>, vector<16xf32>,
      %min3A_493 = arith.minimumf %min3A_358, %add3A_400 : vector<16xf32>
      %min3A_494 = arith.minimumf %min3A_359, %add3A_411 : vector<16xf32>
      %min3A_495 = arith.minimumf %min3A_360, %add3A_422 : vector<16xf32>
      %min3A_496 = arith.minimumf %min3A_361, %add3A_433 : vector<16xf32>
      %min3A_497 = arith.minimumf %min3A_362, %add3A_444 : vector<16xf32>
      %min3A_498 = arith.minimumf %min3A_363, %add3A_455 : vector<16xf32>
      %min3A_499 = arith.minimumf %min3A_364, %add3A_466 : vector<16xf32>
      %min3A_500 = arith.minimumf %min3A_365, %add3A_477 : vector<16xf32>
      scf.yield %min3A_493, %min3A_494, %min3A_495, %min3A_496, %min3A_497, %min3A_498, %min3A_499, %min3A_500 : vector<16xf32>, vector<16xf32>, vector<16xf32>, vector<16xf32>, vector<16xf32>, vector<16xf32>, vector<16xf32>, vector<16xf32>
    }
    %scan3A_194 = arith.constant 256 : i32
    %swap3A_195 = arith.constant 128 : index
    %swap3A_196 = tpu.vector_load %arg9[%swap3A_195] {strides = array<i32>} : memref<256xf32, #tpu.memory_space<vmem>>, vector<16xf32>,
    %swap3A_197 = vector.shape_cast %swap3A_196 : vector<16xf32> to vector<16xf32>
    %swap3A_198 = vector.shape_cast %scan3A_193#0 : vector<16xf32> to vector<16xf32>
    tpu.vector_store %arg9[%swap3A_195], %swap3A_198 {strides = array<i32>} : memref<256xf32, #tpu.memory_space<vmem>>, vector<16xf32>,
    %swap3A_199 = arith.constant 144 : index
    %swap3A_200 = tpu.vector_load %arg9[%swap3A_199] {strides = array<i32>} : memref<256xf32, #tpu.memory_space<vmem>>, vector<16xf32>,
    %swap3A_201 = vector.shape_cast %swap3A_200 : vector<16xf32> to vector<16xf32>
    %swap3A_202 = vector.shape_cast %scan3A_193#1 : vector<16xf32> to vector<16xf32>
    tpu.vector_store %arg9[%swap3A_199], %swap3A_202 {strides = array<i32>} : memref<256xf32, #tpu.memory_space<vmem>>, vector<16xf32>,
    %swap3A_203 = arith.constant 160 : index
    %swap3A_204 = tpu.vector_load %arg9[%swap3A_203] {strides = array<i32>} : memref<256xf32, #tpu.memory_space<vmem>>, vector<16xf32>,
    %swap3A_205 = vector.shape_cast %swap3A_204 : vector<16xf32> to vector<16xf32>
    %swap3A_206 = vector.shape_cast %scan3A_193#2 : vector<16xf32> to vector<16xf32>
    tpu.vector_store %arg9[%swap3A_203], %swap3A_206 {strides = array<i32>} : memref<256xf32, #tpu.memory_space<vmem>>, vector<16xf32>,
    %swap3A_207 = arith.constant 176 : index
    %swap3A_208 = tpu.vector_load %arg9[%swap3A_207] {strides = array<i32>} : memref<256xf32, #tpu.memory_space<vmem>>, vector<16xf32>,
    %swap3A_209 = vector.shape_cast %swap3A_208 : vector<16xf32> to vector<16xf32>
    %swap3A_210 = vector.shape_cast %scan3A_193#3 : vector<16xf32> to vector<16xf32>
    tpu.vector_store %arg9[%swap3A_207], %swap3A_210 {strides = array<i32>} : memref<256xf32, #tpu.memory_space<vmem>>, vector<16xf32>,
    %swap3A_211 = arith.constant 192 : index
    %swap3A_212 = tpu.vector_load %arg9[%swap3A_211] {strides = array<i32>} : memref<256xf32, #tpu.memory_space<vmem>>, vector<16xf32>,
    %swap3A_213 = vector.shape_cast %swap3A_212 : vector<16xf32> to vector<16xf32>
    %swap3A_214 = vector.shape_cast %scan3A_193#4 : vector<16xf32> to vector<16xf32>
    tpu.vector_store %arg9[%swap3A_211], %swap3A_214 {strides = array<i32>} : memref<256xf32, #tpu.memory_space<vmem>>, vector<16xf32>,
    %swap3A_215 = arith.constant 208 : index
    %swap3A_216 = tpu.vector_load %arg9[%swap3A_215] {strides = array<i32>} : memref<256xf32, #tpu.memory_space<vmem>>, vector<16xf32>,
    %swap3A_217 = vector.shape_cast %swap3A_216 : vector<16xf32> to vector<16xf32>
    %swap3A_218 = vector.shape_cast %scan3A_193#5 : vector<16xf32> to vector<16xf32>
    tpu.vector_store %arg9[%swap3A_215], %swap3A_218 {strides = array<i32>} : memref<256xf32, #tpu.memory_space<vmem>>, vector<16xf32>,
    %swap3A_219 = arith.constant 224 : index
    %swap3A_220 = tpu.vector_load %arg9[%swap3A_219] {strides = array<i32>} : memref<256xf32, #tpu.memory_space<vmem>>, vector<16xf32>,
    %swap3A_221 = vector.shape_cast %swap3A_220 : vector<16xf32> to vector<16xf32>
    %swap3A_222 = vector.shape_cast %scan3A_193#6 : vector<16xf32> to vector<16xf32>
    tpu.vector_store %arg9[%swap3A_219], %swap3A_222 {strides = array<i32>} : memref<256xf32, #tpu.memory_space<vmem>>, vector<16xf32>,
    %swap3A_223 = arith.constant 240 : index
    %swap3A_224 = tpu.vector_load %arg9[%swap3A_223] {strides = array<i32>} : memref<256xf32, #tpu.memory_space<vmem>>, vector<16xf32>,
    %swap3A_225 = vector.shape_cast %swap3A_224 : vector<16xf32> to vector<16xf32>
    %swap3A_226 = vector.shape_cast %scan3A_193#7 : vector<16xf32> to vector<16xf32>
    tpu.vector_store %arg9[%swap3A_223], %swap3A_226 {strides = array<i32>} : memref<256xf32, #tpu.memory_space<vmem>>, vector<16xf32>,
    "tpu.region"() ({
      %run_scoped3A = tpu.sem_alloc : memref<!tpu.dma_semaphore, #tpu.memory_space<semaphore_mem>>
      %dma_start3A = arith.constant 0 : i32
      %dma_start3A_227 = tpu.memref_slice %arg4[%arg0, %arg1, %dma_start3A] : memref<2x16x256xf32, #tpu.memory_space<hbm>> -> memref<1x1x256xf32, #tpu.memory_space<hbm>>
      %dma_start3A_228 = tpu.memref_squeeze %dma_start3A_227 : memref<1x1x256xf32, #tpu.memory_space<hbm>> -> memref<256xf32, #tpu.memory_space<hbm>>
      %dma_start3A_229 = arith.constant 0 : i32
      %dma_start3A_230 = tpu.memref_slice %arg4[%arg0, %arg1, %dma_start3A_229] : memref<2x16x256xf32, #tpu.memory_space<hbm>> -> memref<1x1x256xf32, #tpu.memory_space<hbm>>
      %dma_start3A_231 = tpu.memref_squeeze %dma_start3A_230 : memref<1x1x256xf32, #tpu.memory_space<hbm>> -> memref<256xf32, #tpu.memory_space<hbm>>
      tpu.enqueue_dma source(%arg9 : memref<256xf32, #tpu.memory_space<vmem>>) target(%dma_start3A_231 : memref<256xf32, #tpu.memory_space<hbm>>) target_semaphore(%run_scoped3A : memref<!tpu.dma_semaphore, #tpu.memory_space<semaphore_mem>>)
      %dma_wait3A = arith.constant 0 : i32
      %dma_wait3A_232 = tpu.memref_slice %arg4[%arg0, %arg1, %dma_wait3A] : memref<2x16x256xf32, #tpu.memory_space<hbm>> -> memref<1x1x256xf32, #tpu.memory_space<hbm>>
      %dma_wait3A_233 = tpu.memref_squeeze %dma_wait3A_232 : memref<1x1x256xf32, #tpu.memory_space<hbm>> -> memref<256xf32, #tpu.memory_space<hbm>>
      %dma_wait3A_234 = arith.constant 0 : i32
      %dma_wait3A_235 = tpu.memref_slice %arg4[%arg0, %arg1, %dma_wait3A_234] : memref<2x16x256xf32, #tpu.memory_space<hbm>> -> memref<1x1x256xf32, #tpu.memory_space<hbm>>
      %dma_wait3A_236 = tpu.memref_squeeze %dma_wait3A_235 : memref<1x1x256xf32, #tpu.memory_space<hbm>> -> memref<256xf32, #tpu.memory_space<hbm>>
      tpu.wait_dma2 semaphore(%run_scoped3A : memref<!tpu.dma_semaphore, #tpu.memory_space<semaphore_mem>>) src(%arg9 : memref<256xf32, #tpu.memory_space<vmem>>) dst(%dma_wait3A_236 : memref<256xf32, #tpu.memory_space<hbm>>)
      tpu.yield
    }) : () -> ()
    "tpu.region"() ({
      %run_scoped3A = tpu.sem_alloc : memref<!tpu.dma_semaphore, #tpu.memory_space<semaphore_mem>>
      %dma_start3A = arith.constant 0 : i32
      %dma_start3A_227 = tpu.memref_slice %arg5[%arg0, %arg1, %dma_start3A] : memref<2x16x4096xf32, #tpu.memory_space<hbm>> -> memref<1x1x4096xf32, #tpu.memory_space<hbm>>
      %dma_start3A_228 = tpu.memref_squeeze %dma_start3A_227 : memref<1x1x4096xf32, #tpu.memory_space<hbm>> -> memref<4096xf32, #tpu.memory_space<hbm>>
      %dma_start3A_229 = arith.constant 0 : i32
      %dma_start3A_230 = tpu.memref_slice %arg5[%arg0, %arg1, %dma_start3A_229] : memref<2x16x4096xf32, #tpu.memory_space<hbm>> -> memref<1x1x4096xf32, #tpu.memory_space<hbm>>
      %dma_start3A_231 = tpu.memref_squeeze %dma_start3A_230 : memref<1x1x4096xf32, #tpu.memory_space<hbm>> -> memref<4096xf32, #tpu.memory_space<hbm>>
      tpu.enqueue_dma source(%arg8 : memref<4096xf32, #tpu.memory_space<vmem>>) target(%dma_start3A_231 : memref<4096xf32, #tpu.memory_space<hbm>>) target_semaphore(%run_scoped3A : memref<!tpu.dma_semaphore, #tpu.memory_space<semaphore_mem>>)
      %dma_wait3A = arith.constant 0 : i32
      %dma_wait3A_232 = tpu.memref_slice %arg5[%arg0, %arg1, %dma_wait3A] : memref<2x16x4096xf32, #tpu.memory_space<hbm>> -> memref<1x1x4096xf32, #tpu.memory_space<hbm>>
      %dma_wait3A_233 = tpu.memref_squeeze %dma_wait3A_232 : memref<1x1x4096xf32, #tpu.memory_space<hbm>> -> memref<4096xf32, #tpu.memory_space<hbm>>
      %dma_wait3A_234 = arith.constant 0 : i32
      %dma_wait3A_235 = tpu.memref_slice %arg5[%arg0, %arg1, %dma_wait3A_234] : memref<2x16x4096xf32, #tpu.memory_space<hbm>> -> memref<1x1x4096xf32, #tpu.memory_space<hbm>>
      %dma_wait3A_236 = tpu.memref_squeeze %dma_wait3A_235 : memref<1x1x4096xf32, #tpu.memory_space<hbm>> -> memref<4096xf32, #tpu.memory_space<hbm>>
      tpu.wait_dma2 semaphore(%run_scoped3A : memref<!tpu.dma_semaphore, #tpu.memory_space<semaphore_mem>>) src(%arg8 : memref<4096xf32, #tpu.memory_space<vmem>>) dst(%dma_wait3A_236 : memref<4096xf32, #tpu.memory_space<hbm>>)
      tpu.yield
    }) : () -> ()
    return
  }
}

module attributes {stable_mosaic.version = 14 : i64} {
  func.func @_tc_body(%arg0: memref<2x4096x3xf32, #tpu.memory_space<vmem>>, %arg1: memref<2x3x4096xf32, #tpu.memory_space<vmem>>, %arg2: memref<1x1xf32, #tpu.memory_space<smem>>, %arg3: memref<2x4096xf32, #tpu.memory_space<vmem>>) attributes {dimension_semantics = [], scalar_prefetch = 0 : i64, scratch_operands = 0 : i64, tpu.core_type = #tpu.core_type<tc>} {
    %get3A = arith.constant 0 : index
    %get3A_0 = arith.constant 0 : index
    %get3A_1 = arith.constant 0 : index
    %get3A_2 = vector.load %arg1[%get3A, %get3A_0, %get3A_1] : memref<2x3x4096xf32, #tpu.memory_space<vmem>>, vector<1x3x4096xf32>
    %get3A_3 = vector.shape_cast %get3A_2 : vector<1x3x4096xf32> to vector<3x4096xf32>
    %mul3A = arith.mulf %get3A_3, %get3A_3 : vector<3x4096xf32>
    %reduce_sum3A = arith.constant dense<0.000000e+00> : vector<4096xf32>
    %reduce_sum3A_4 = vector.multi_reduction <add>, %mul3A, %reduce_sum3A [0] : vector<3x4096xf32> to vector<4096xf32>
    %broadcast_in_dim3A = vector.shape_cast %reduce_sum3A_4 : vector<4096xf32> to vector<1x4096xf32>
    %concatenate3A = tpu.concatenate %get3A_3, %broadcast_in_dim3A in 0 : vector<3x4096xf32>, vector<1x4096xf32> -> vector<4x4096xf32>
    %broadcast_in_dim3A_5 = arith.constant 0x7F800000 : f32
    %broadcast_in_dim3A_6 = vector.broadcast %broadcast_in_dim3A_5 : f32 to vector<4096xf32>
    %scan3A = arith.constant 0.000000e+00 : f32
    %scan3A_7 = arith.constant 0 : i32
    %scan3A_8 = arith.constant 2 : i32
    %scan3A_9 = arith.addi %scan3A_7, %scan3A_8 : i32
    %scan3A_10 = arith.constant 1 : i32
    %scan3A_11:2 = scf.for %scan3A_46 = %scan3A_7 to %scan3A_9 step %scan3A_10 iter_args(%scan3A_47 = %scan3A, %scan3A_48 = %broadcast_in_dim3A_6) -> (f32, vector<4096xf32>)  : i32 {
      %mul3A_49 = arith.constant 1920 : i32
      %mul3A_50 = arith.muli %scan3A_46, %mul3A_49 : i32
      %add3A_51 = arith.constant 256 : i32
      %add3A_52 = arith.addi %add3A_51, %mul3A_50 : i32
      %get3A_53 = arith.constant 0 : index
      %get3A_54 = arith.index_cast %add3A_52 : i32 to index
      %get3A_55 = arith.constant 0 : index
      %get3A_56 = vector.load %arg0[%get3A_53, %get3A_54, %get3A_55] : memref<2x4096x3xf32, #tpu.memory_space<vmem>>, vector<1x1920x3xf32>
      %get3A_57 = vector.shape_cast %get3A_56 : vector<1x1920x3xf32> to vector<1920x3xf32>
      %mul3A_58 = arith.mulf %get3A_57, %get3A_57 : vector<1920x3xf32>
      %reduce_sum3A_59 = arith.constant dense<0.000000e+00> : vector<1920xf32>
      %reduce_sum3A_60 = vector.multi_reduction <add>, %mul3A_58, %reduce_sum3A_59 [1] : vector<1920x3xf32> to vector<1920xf32>
      %broadcast_in_dim3A_61 = vector.shape_cast %reduce_sum3A_60 : vector<1920xf32> to vector<1920x1xf32>
      %mul3A_62 = arith.constant -2.000000e+00 : f32
      %mul3A_63 = vector.broadcast %mul3A_62 : f32 to vector<1920x3xf32>
      %mul3A_64 = arith.mulf %mul3A_63, %get3A_57 : vector<1920x3xf32>
      %broadcast_in_dim3A_65 = arith.constant 1.000000e+00 : f32
      %broadcast_in_dim3A_66 = vector.broadcast %broadcast_in_dim3A_65 : f32 to vector<1920x1xf32>
      %concatenate3A_67 = tpu.concatenate %mul3A_64, %broadcast_in_dim3A_66 in 1 : vector<1920x3xf32>, vector<1920x1xf32> -> vector<1920x4xf32>
      %dot_general3A = arith.constant dense<0.000000e+00> : vector<1920x4096xf32>
      %dot_general3A_68 = tpu.matmul %concatenate3A_67, %concatenate3A, %dot_general3A {dimension_numbers = #tpu.dot_dimension_numbers<[1], [0], [0], [1], [0, 0, 1, 1], [], []>, transpose_lhs_hint = false} : vector<1920x4xf32>, vector<4x4096xf32>, vector<1920x4096xf32> -> vector<1920x4096xf32>
      %reduce_min3A = arith.constant dense<0x7F800000> : vector<1920xf32>
      %reduce_min3A_69 = vector.multi_reduction <minimumf>, %dot_general3A_68, %reduce_min3A [1] : vector<1920x4096xf32> to vector<1920xf32>
      %broadcast_in_dim3A_70 = vector.shape_cast %reduce_min3A_69 : vector<1920xf32> to vector<1920x1xf32>
      %add3A_71 = arith.addf %broadcast_in_dim3A_70, %broadcast_in_dim3A_61 : vector<1920x1xf32>
      %max3A = arith.constant 0.000000e+00 : f32
      %max3A_72 = vector.broadcast %max3A : f32 to vector<1920x1xf32>
      %max3A_73 = arith.maximumf %add3A_71, %max3A_72 : vector<1920x1xf32>
      %reduce_sum3A_74 = vector.shape_cast %max3A_73 : vector<1920x1xf32> to vector<1x1920x1xf32>
      %reduce_sum3A_75 = arith.constant dense<0.000000e+00> : vector<1xf32>
      %reduce_sum3A_76 = vector.multi_reduction <add>, %reduce_sum3A_74, %reduce_sum3A_75 [1, 2] : vector<1x1920x1xf32> to vector<1xf32>
      %reduce_sum3A_77 = vector.shape_cast %reduce_sum3A_76 : vector<1xf32> to vector<1x1x1xf32>
      %reduce_sum3A_78 = vector.extract %reduce_sum3A_77[0, 0, 0] : f32 from vector<1x1x1xf32>
      %add3A_79 = arith.addf %scan3A_47, %reduce_sum3A_78 : f32
      %add3A_80 = vector.broadcast %broadcast_in_dim3A_61 : vector<1920x1xf32> to vector<1920x4096xf32>
      %add3A_81 = arith.addf %dot_general3A_68, %add3A_80 : vector<1920x4096xf32>
      %reduce_min3A_82 = arith.constant dense<0x7F800000> : vector<4096xf32>
      %reduce_min3A_83 = vector.multi_reduction <minimumf>, %add3A_81, %reduce_min3A_82 [0] : vector<1920x4096xf32> to vector<4096xf32>
      %min3A = arith.minimumf %scan3A_48, %reduce_min3A_83 : vector<4096xf32>
      scf.yield %add3A_79, %min3A : f32, vector<4096xf32>
    }
    %scan3A_12 = arith.constant 2 : i32
    %add3A = arith.constant 0.000000e+00 : f32
    %add3A_13 = arith.addf %add3A, %scan3A_11#0 : f32
    %swap3A = arith.constant 0 : index
    %swap3A_14 = arith.constant 0 : index
    %swap3A_15 = vector.load %arg3[%swap3A, %swap3A_14] : memref<2x4096xf32, #tpu.memory_space<vmem>>, vector<1x4096xf32>
    %swap3A_16 = vector.shape_cast %swap3A_15 : vector<1x4096xf32> to vector<4096xf32>
    %swap3A_17 = vector.shape_cast %scan3A_11#1 : vector<4096xf32> to vector<1x4096xf32>
    tpu.vector_store %arg3[%swap3A, %swap3A_14], %swap3A_17 {strides = array<i32>} : memref<2x4096xf32, #tpu.memory_space<vmem>>, vector<1x4096xf32>,
    %get3A_18 = arith.constant 1 : index
    %get3A_19 = arith.constant 0 : index
    %get3A_20 = arith.constant 0 : index
    %get3A_21 = vector.load %arg1[%get3A_18, %get3A_19, %get3A_20] : memref<2x3x4096xf32, #tpu.memory_space<vmem>>, vector<1x3x4096xf32>
    %get3A_22 = vector.shape_cast %get3A_21 : vector<1x3x4096xf32> to vector<3x4096xf32>
    %mul3A_23 = arith.mulf %get3A_22, %get3A_22 : vector<3x4096xf32>
    %reduce_sum3A_24 = arith.constant dense<0.000000e+00> : vector<4096xf32>
    %reduce_sum3A_25 = vector.multi_reduction <add>, %mul3A_23, %reduce_sum3A_24 [0] : vector<3x4096xf32> to vector<4096xf32>
    %broadcast_in_dim3A_26 = vector.shape_cast %reduce_sum3A_25 : vector<4096xf32> to vector<1x4096xf32>
    %concatenate3A_27 = tpu.concatenate %get3A_22, %broadcast_in_dim3A_26 in 0 : vector<3x4096xf32>, vector<1x4096xf32> -> vector<4x4096xf32>
    %broadcast_in_dim3A_28 = arith.constant 0x7F800000 : f32
    %broadcast_in_dim3A_29 = vector.broadcast %broadcast_in_dim3A_28 : f32 to vector<4096xf32>
    %scan3A_30 = arith.constant 0.000000e+00 : f32
    %scan3A_31 = arith.constant 0 : i32
    %scan3A_32 = arith.constant 2 : i32
    %scan3A_33 = arith.addi %scan3A_31, %scan3A_32 : i32
    %scan3A_34 = arith.constant 1 : i32
    %scan3A_35:2 = scf.for %scan3A_46 = %scan3A_31 to %scan3A_33 step %scan3A_34 iter_args(%scan3A_47 = %scan3A_30, %scan3A_48 = %broadcast_in_dim3A_29) -> (f32, vector<4096xf32>)  : i32 {
      %mul3A_49 = arith.constant 1920 : i32
      %mul3A_50 = arith.muli %scan3A_46, %mul3A_49 : i32
      %add3A_51 = arith.constant 256 : i32
      %add3A_52 = arith.addi %add3A_51, %mul3A_50 : i32
      %get3A_53 = arith.constant 1 : index
      %get3A_54 = arith.index_cast %add3A_52 : i32 to index
      %get3A_55 = arith.constant 0 : index
      %get3A_56 = vector.load %arg0[%get3A_53, %get3A_54, %get3A_55] : memref<2x4096x3xf32, #tpu.memory_space<vmem>>, vector<1x1920x3xf32>
      %get3A_57 = vector.shape_cast %get3A_56 : vector<1x1920x3xf32> to vector<1920x3xf32>
      %mul3A_58 = arith.mulf %get3A_57, %get3A_57 : vector<1920x3xf32>
      %reduce_sum3A_59 = arith.constant dense<0.000000e+00> : vector<1920xf32>
      %reduce_sum3A_60 = vector.multi_reduction <add>, %mul3A_58, %reduce_sum3A_59 [1] : vector<1920x3xf32> to vector<1920xf32>
      %broadcast_in_dim3A_61 = vector.shape_cast %reduce_sum3A_60 : vector<1920xf32> to vector<1920x1xf32>
      %mul3A_62 = arith.constant -2.000000e+00 : f32
      %mul3A_63 = vector.broadcast %mul3A_62 : f32 to vector<1920x3xf32>
      %mul3A_64 = arith.mulf %mul3A_63, %get3A_57 : vector<1920x3xf32>
      %broadcast_in_dim3A_65 = arith.constant 1.000000e+00 : f32
      %broadcast_in_dim3A_66 = vector.broadcast %broadcast_in_dim3A_65 : f32 to vector<1920x1xf32>
      %concatenate3A_67 = tpu.concatenate %mul3A_64, %broadcast_in_dim3A_66 in 1 : vector<1920x3xf32>, vector<1920x1xf32> -> vector<1920x4xf32>
      %dot_general3A = arith.constant dense<0.000000e+00> : vector<1920x4096xf32>
      %dot_general3A_68 = tpu.matmul %concatenate3A_67, %concatenate3A_27, %dot_general3A {dimension_numbers = #tpu.dot_dimension_numbers<[1], [0], [0], [1], [0, 0, 1, 1], [], []>, transpose_lhs_hint = false} : vector<1920x4xf32>, vector<4x4096xf32>, vector<1920x4096xf32> -> vector<1920x4096xf32>
      %reduce_min3A = arith.constant dense<0x7F800000> : vector<1920xf32>
      %reduce_min3A_69 = vector.multi_reduction <minimumf>, %dot_general3A_68, %reduce_min3A [1] : vector<1920x4096xf32> to vector<1920xf32>
      %broadcast_in_dim3A_70 = vector.shape_cast %reduce_min3A_69 : vector<1920xf32> to vector<1920x1xf32>
      %add3A_71 = arith.addf %broadcast_in_dim3A_70, %broadcast_in_dim3A_61 : vector<1920x1xf32>
      %max3A = arith.constant 0.000000e+00 : f32
      %max3A_72 = vector.broadcast %max3A : f32 to vector<1920x1xf32>
      %max3A_73 = arith.maximumf %add3A_71, %max3A_72 : vector<1920x1xf32>
      %reduce_sum3A_74 = vector.shape_cast %max3A_73 : vector<1920x1xf32> to vector<1x1920x1xf32>
      %reduce_sum3A_75 = arith.constant dense<0.000000e+00> : vector<1xf32>
      %reduce_sum3A_76 = vector.multi_reduction <add>, %reduce_sum3A_74, %reduce_sum3A_75 [1, 2] : vector<1x1920x1xf32> to vector<1xf32>
      %reduce_sum3A_77 = vector.shape_cast %reduce_sum3A_76 : vector<1xf32> to vector<1x1x1xf32>
      %reduce_sum3A_78 = vector.extract %reduce_sum3A_77[0, 0, 0] : f32 from vector<1x1x1xf32>
      %add3A_79 = arith.addf %scan3A_47, %reduce_sum3A_78 : f32
      %add3A_80 = vector.broadcast %broadcast_in_dim3A_61 : vector<1920x1xf32> to vector<1920x4096xf32>
      %add3A_81 = arith.addf %dot_general3A_68, %add3A_80 : vector<1920x4096xf32>
      %reduce_min3A_82 = arith.constant dense<0x7F800000> : vector<4096xf32>
      %reduce_min3A_83 = vector.multi_reduction <minimumf>, %add3A_81, %reduce_min3A_82 [0] : vector<1920x4096xf32> to vector<4096xf32>
      %min3A = arith.minimumf %scan3A_48, %reduce_min3A_83 : vector<4096xf32>
      scf.yield %add3A_79, %min3A : f32, vector<4096xf32>
    }
    %scan3A_36 = arith.constant 2 : i32
    %add3A_37 = arith.addf %add3A_13, %scan3A_35#0 : f32
    %swap3A_38 = arith.constant 1 : index
    %swap3A_39 = arith.constant 0 : index
    %swap3A_40 = vector.load %arg3[%swap3A_38, %swap3A_39] : memref<2x4096xf32, #tpu.memory_space<vmem>>, vector<1x4096xf32>
    %swap3A_41 = vector.shape_cast %swap3A_40 : vector<1x4096xf32> to vector<4096xf32>
    %swap3A_42 = vector.shape_cast %scan3A_35#1 : vector<4096xf32> to vector<1x4096xf32>
    tpu.vector_store %arg3[%swap3A_38, %swap3A_39], %swap3A_42 {strides = array<i32>} : memref<2x4096xf32, #tpu.memory_space<vmem>>, vector<1x4096xf32>,
    %swap3A_43 = arith.constant 0 : index
    %swap3A_44 = arith.constant 0 : index
    %swap3A_45 = memref.load %arg2[%swap3A_43, %swap3A_44] : memref<1x1xf32, #tpu.memory_space<smem>>
    memref.store %add3A_37, %arg2[%swap3A_43, %swap3A_44] : memref<1x1xf32, #tpu.memory_space<smem>>
    return
  }
}

module attributes {stable_mosaic.version = 14 : i64} {
  func.func @_merge_body(%arg0: memref<1x1xf32, #tpu.memory_space<smem>>, %arg1: memref<2x4096xf32, #tpu.memory_space<vmem>>, %arg2: memref<512x16xf32, #tpu.memory_space<vmem>>, %arg3: memref<2x16x4096xf32, #tpu.memory_space<vmem>>, %arg4: memref<1x1xf32, #tpu.memory_space<smem>>) attributes {dimension_semantics = [], scalar_prefetch = 0 : i64, scratch_operands = 0 : i64, tpu.core_type = #tpu.core_type<tc>} {
    %get3A = arith.constant 0 : index
    %get3A_0 = arith.constant 0 : index
    %get3A_1 = memref.load %arg0[%get3A, %get3A_0] : memref<1x1xf32, #tpu.memory_space<smem>>
    %get3A_2 = arith.constant 0 : index
    %get3A_3 = arith.constant 0 : index
    %get3A_4 = vector.load %arg2[%get3A_2, %get3A_3] : memref<512x16xf32, #tpu.memory_space<vmem>>, vector<512x16xf32>
    %reduce_min3A = arith.constant dense<0x7F800000> : vector<512xf32>
    %reduce_min3A_5 = vector.multi_reduction <minimumf>, %get3A_4, %reduce_min3A [1] : vector<512x16xf32> to vector<512xf32>
    %max3A = arith.constant 0.000000e+00 : f32
    %max3A_6 = vector.broadcast %max3A : f32 to vector<512xf32>
    %max3A_7 = arith.maximumf %reduce_min3A_5, %max3A_6 : vector<512xf32>
    %reduce_sum3A = vector.shape_cast %max3A_7 : vector<512xf32> to vector<1x512xf32>
    %reduce_sum3A_8 = arith.constant dense<0.000000e+00> : vector<1xf32>
    %reduce_sum3A_9 = vector.multi_reduction <add>, %reduce_sum3A, %reduce_sum3A_8 [1] : vector<1x512xf32> to vector<1xf32>
    %reduce_sum3A_10 = vector.shape_cast %reduce_sum3A_9 : vector<1xf32> to vector<1x1xf32>
    %reduce_sum3A_11 = vector.extract %reduce_sum3A_10[0, 0] : f32 from vector<1x1xf32>
    %add3A = arith.addf %get3A_1, %reduce_sum3A_11 : f32
    %get3A_12 = arith.constant 0 : index
    %get3A_13 = arith.constant 0 : index
    %get3A_14 = vector.load %arg1[%get3A_12, %get3A_13] : memref<2x4096xf32, #tpu.memory_space<vmem>>, vector<1x4096xf32>
    %get3A_15 = vector.shape_cast %get3A_14 : vector<1x4096xf32> to vector<4096xf32>
    %get3A_16 = arith.constant 0 : index
    %get3A_17 = arith.constant 0 : index
    %get3A_18 = arith.constant 0 : index
    %get3A_19 = vector.load %arg3[%get3A_16, %get3A_17, %get3A_18] : memref<2x16x4096xf32, #tpu.memory_space<vmem>>, vector<1x1x4096xf32>
    %get3A_20 = vector.shape_cast %get3A_19 : vector<1x1x4096xf32> to vector<4096xf32>
    %min3A = arith.minimumf %get3A_15, %get3A_20 : vector<4096xf32>
    %get3A_21 = arith.constant 0 : index
    %get3A_22 = arith.constant 1 : index
    %get3A_23 = arith.constant 0 : index
    %get3A_24 = vector.load %arg3[%get3A_21, %get3A_22, %get3A_23] : memref<2x16x4096xf32, #tpu.memory_space<vmem>>, vector<1x1x4096xf32>
    %get3A_25 = vector.shape_cast %get3A_24 : vector<1x1x4096xf32> to vector<4096xf32>
    %min3A_26 = arith.minimumf %min3A, %get3A_25 : vector<4096xf32>
    %get3A_27 = arith.constant 0 : index
    %get3A_28 = arith.constant 2 : index
    %get3A_29 = arith.constant 0 : index
    %get3A_30 = vector.load %arg3[%get3A_27, %get3A_28, %get3A_29] : memref<2x16x4096xf32, #tpu.memory_space<vmem>>, vector<1x1x4096xf32>
    %get3A_31 = vector.shape_cast %get3A_30 : vector<1x1x4096xf32> to vector<4096xf32>
    %min3A_32 = arith.minimumf %min3A_26, %get3A_31 : vector<4096xf32>
    %get3A_33 = arith.constant 0 : index
    %get3A_34 = arith.constant 3 : index
    %get3A_35 = arith.constant 0 : index
    %get3A_36 = vector.load %arg3[%get3A_33, %get3A_34, %get3A_35] : memref<2x16x4096xf32, #tpu.memory_space<vmem>>, vector<1x1x4096xf32>
    %get3A_37 = vector.shape_cast %get3A_36 : vector<1x1x4096xf32> to vector<4096xf32>
    %min3A_38 = arith.minimumf %min3A_32, %get3A_37 : vector<4096xf32>
    %get3A_39 = arith.constant 0 : index
    %get3A_40 = arith.constant 4 : index
    %get3A_41 = arith.constant 0 : index
    %get3A_42 = vector.load %arg3[%get3A_39, %get3A_40, %get3A_41] : memref<2x16x4096xf32, #tpu.memory_space<vmem>>, vector<1x1x4096xf32>
    %get3A_43 = vector.shape_cast %get3A_42 : vector<1x1x4096xf32> to vector<4096xf32>
    %min3A_44 = arith.minimumf %min3A_38, %get3A_43 : vector<4096xf32>
    %get3A_45 = arith.constant 0 : index
    %get3A_46 = arith.constant 5 : index
    %get3A_47 = arith.constant 0 : index
    %get3A_48 = vector.load %arg3[%get3A_45, %get3A_46, %get3A_47] : memref<2x16x4096xf32, #tpu.memory_space<vmem>>, vector<1x1x4096xf32>
    %get3A_49 = vector.shape_cast %get3A_48 : vector<1x1x4096xf32> to vector<4096xf32>
    %min3A_50 = arith.minimumf %min3A_44, %get3A_49 : vector<4096xf32>
    %get3A_51 = arith.constant 0 : index
    %get3A_52 = arith.constant 6 : index
    %get3A_53 = arith.constant 0 : index
    %get3A_54 = vector.load %arg3[%get3A_51, %get3A_52, %get3A_53] : memref<2x16x4096xf32, #tpu.memory_space<vmem>>, vector<1x1x4096xf32>
    %get3A_55 = vector.shape_cast %get3A_54 : vector<1x1x4096xf32> to vector<4096xf32>
    %min3A_56 = arith.minimumf %min3A_50, %get3A_55 : vector<4096xf32>
    %get3A_57 = arith.constant 0 : index
    %get3A_58 = arith.constant 7 : index
    %get3A_59 = arith.constant 0 : index
    %get3A_60 = vector.load %arg3[%get3A_57, %get3A_58, %get3A_59] : memref<2x16x4096xf32, #tpu.memory_space<vmem>>, vector<1x1x4096xf32>
    %get3A_61 = vector.shape_cast %get3A_60 : vector<1x1x4096xf32> to vector<4096xf32>
    %min3A_62 = arith.minimumf %min3A_56, %get3A_61 : vector<4096xf32>
    %get3A_63 = arith.constant 0 : index
    %get3A_64 = arith.constant 8 : index
    %get3A_65 = arith.constant 0 : index
    %get3A_66 = vector.load %arg3[%get3A_63, %get3A_64, %get3A_65] : memref<2x16x4096xf32, #tpu.memory_space<vmem>>, vector<1x1x4096xf32>
    %get3A_67 = vector.shape_cast %get3A_66 : vector<1x1x4096xf32> to vector<4096xf32>
    %min3A_68 = arith.minimumf %min3A_62, %get3A_67 : vector<4096xf32>
    %get3A_69 = arith.constant 0 : index
    %get3A_70 = arith.constant 9 : index
    %get3A_71 = arith.constant 0 : index
    %get3A_72 = vector.load %arg3[%get3A_69, %get3A_70, %get3A_71] : memref<2x16x4096xf32, #tpu.memory_space<vmem>>, vector<1x1x4096xf32>
    %get3A_73 = vector.shape_cast %get3A_72 : vector<1x1x4096xf32> to vector<4096xf32>
    %min3A_74 = arith.minimumf %min3A_68, %get3A_73 : vector<4096xf32>
    %get3A_75 = arith.constant 0 : index
    %get3A_76 = arith.constant 10 : index
    %get3A_77 = arith.constant 0 : index
    %get3A_78 = vector.load %arg3[%get3A_75, %get3A_76, %get3A_77] : memref<2x16x4096xf32, #tpu.memory_space<vmem>>, vector<1x1x4096xf32>
    %get3A_79 = vector.shape_cast %get3A_78 : vector<1x1x4096xf32> to vector<4096xf32>
    %min3A_80 = arith.minimumf %min3A_74, %get3A_79 : vector<4096xf32>
    %get3A_81 = arith.constant 0 : index
    %get3A_82 = arith.constant 11 : index
    %get3A_83 = arith.constant 0 : index
    %get3A_84 = vector.load %arg3[%get3A_81, %get3A_82, %get3A_83] : memref<2x16x4096xf32, #tpu.memory_space<vmem>>, vector<1x1x4096xf32>
    %get3A_85 = vector.shape_cast %get3A_84 : vector<1x1x4096xf32> to vector<4096xf32>
    %min3A_86 = arith.minimumf %min3A_80, %get3A_85 : vector<4096xf32>
    %get3A_87 = arith.constant 0 : index
    %get3A_88 = arith.constant 12 : index
    %get3A_89 = arith.constant 0 : index
    %get3A_90 = vector.load %arg3[%get3A_87, %get3A_88, %get3A_89] : memref<2x16x4096xf32, #tpu.memory_space<vmem>>, vector<1x1x4096xf32>
    %get3A_91 = vector.shape_cast %get3A_90 : vector<1x1x4096xf32> to vector<4096xf32>
    %min3A_92 = arith.minimumf %min3A_86, %get3A_91 : vector<4096xf32>
    %get3A_93 = arith.constant 0 : index
    %get3A_94 = arith.constant 13 : index
    %get3A_95 = arith.constant 0 : index
    %get3A_96 = vector.load %arg3[%get3A_93, %get3A_94, %get3A_95] : memref<2x16x4096xf32, #tpu.memory_space<vmem>>, vector<1x1x4096xf32>
    %get3A_97 = vector.shape_cast %get3A_96 : vector<1x1x4096xf32> to vector<4096xf32>
    %min3A_98 = arith.minimumf %min3A_92, %get3A_97 : vector<4096xf32>
    %get3A_99 = arith.constant 0 : index
    %get3A_100 = arith.constant 14 : index
    %get3A_101 = arith.constant 0 : index
    %get3A_102 = vector.load %arg3[%get3A_99, %get3A_100, %get3A_101] : memref<2x16x4096xf32, #tpu.memory_space<vmem>>, vector<1x1x4096xf32>
    %get3A_103 = vector.shape_cast %get3A_102 : vector<1x1x4096xf32> to vector<4096xf32>
    %min3A_104 = arith.minimumf %min3A_98, %get3A_103 : vector<4096xf32>
    %get3A_105 = arith.constant 0 : index
    %get3A_106 = arith.constant 15 : index
    %get3A_107 = arith.constant 0 : index
    %get3A_108 = vector.load %arg3[%get3A_105, %get3A_106, %get3A_107] : memref<2x16x4096xf32, #tpu.memory_space<vmem>>, vector<1x1x4096xf32>
    %get3A_109 = vector.shape_cast %get3A_108 : vector<1x1x4096xf32> to vector<4096xf32>
    %min3A_110 = arith.minimumf %min3A_104, %get3A_109 : vector<4096xf32>
    %max3A_111 = arith.constant 0.000000e+00 : f32
    %max3A_112 = vector.broadcast %max3A_111 : f32 to vector<4096xf32>
    %max3A_113 = arith.maximumf %min3A_110, %max3A_112 : vector<4096xf32>
    %reduce_sum3A_114 = vector.shape_cast %max3A_113 : vector<4096xf32> to vector<1x4096xf32>
    %reduce_sum3A_115 = arith.constant dense<0.000000e+00> : vector<1xf32>
    %reduce_sum3A_116 = vector.multi_reduction <add>, %reduce_sum3A_114, %reduce_sum3A_115 [1] : vector<1x4096xf32> to vector<1xf32>
    %reduce_sum3A_117 = vector.shape_cast %reduce_sum3A_116 : vector<1xf32> to vector<1x1xf32>
    %reduce_sum3A_118 = vector.extract %reduce_sum3A_117[0, 0] : f32 from vector<1x1xf32>
    %add3A_119 = arith.constant 0.000000e+00 : f32
    %add3A_120 = arith.addf %add3A_119, %reduce_sum3A_118 : f32
    %get3A_121 = arith.constant 1 : index
    %get3A_122 = arith.constant 0 : index
    %get3A_123 = vector.load %arg1[%get3A_121, %get3A_122] : memref<2x4096xf32, #tpu.memory_space<vmem>>, vector<1x4096xf32>
    %get3A_124 = vector.shape_cast %get3A_123 : vector<1x4096xf32> to vector<4096xf32>
    %get3A_125 = arith.constant 1 : index
    %get3A_126 = arith.constant 0 : index
    %get3A_127 = arith.constant 0 : index
    %get3A_128 = vector.load %arg3[%get3A_125, %get3A_126, %get3A_127] : memref<2x16x4096xf32, #tpu.memory_space<vmem>>, vector<1x1x4096xf32>
    %get3A_129 = vector.shape_cast %get3A_128 : vector<1x1x4096xf32> to vector<4096xf32>
    %min3A_130 = arith.minimumf %get3A_124, %get3A_129 : vector<4096xf32>
    %get3A_131 = arith.constant 1 : index
    %get3A_132 = arith.constant 1 : index
    %get3A_133 = arith.constant 0 : index
    %get3A_134 = vector.load %arg3[%get3A_131, %get3A_132, %get3A_133] : memref<2x16x4096xf32, #tpu.memory_space<vmem>>, vector<1x1x4096xf32>
    %get3A_135 = vector.shape_cast %get3A_134 : vector<1x1x4096xf32> to vector<4096xf32>
    %min3A_136 = arith.minimumf %min3A_130, %get3A_135 : vector<4096xf32>
    %get3A_137 = arith.constant 1 : index
    %get3A_138 = arith.constant 2 : index
    %get3A_139 = arith.constant 0 : index
    %get3A_140 = vector.load %arg3[%get3A_137, %get3A_138, %get3A_139] : memref<2x16x4096xf32, #tpu.memory_space<vmem>>, vector<1x1x4096xf32>
    %get3A_141 = vector.shape_cast %get3A_140 : vector<1x1x4096xf32> to vector<4096xf32>
    %min3A_142 = arith.minimumf %min3A_136, %get3A_141 : vector<4096xf32>
    %get3A_143 = arith.constant 1 : index
    %get3A_144 = arith.constant 3 : index
    %get3A_145 = arith.constant 0 : index
    %get3A_146 = vector.load %arg3[%get3A_143, %get3A_144, %get3A_145] : memref<2x16x4096xf32, #tpu.memory_space<vmem>>, vector<1x1x4096xf32>
    %get3A_147 = vector.shape_cast %get3A_146 : vector<1x1x4096xf32> to vector<4096xf32>
    %min3A_148 = arith.minimumf %min3A_142, %get3A_147 : vector<4096xf32>
    %get3A_149 = arith.constant 1 : index
    %get3A_150 = arith.constant 4 : index
    %get3A_151 = arith.constant 0 : index
    %get3A_152 = vector.load %arg3[%get3A_149, %get3A_150, %get3A_151] : memref<2x16x4096xf32, #tpu.memory_space<vmem>>, vector<1x1x4096xf32>
    %get3A_153 = vector.shape_cast %get3A_152 : vector<1x1x4096xf32> to vector<4096xf32>
    %min3A_154 = arith.minimumf %min3A_148, %get3A_153 : vector<4096xf32>
    %get3A_155 = arith.constant 1 : index
    %get3A_156 = arith.constant 5 : index
    %get3A_157 = arith.constant 0 : index
    %get3A_158 = vector.load %arg3[%get3A_155, %get3A_156, %get3A_157] : memref<2x16x4096xf32, #tpu.memory_space<vmem>>, vector<1x1x4096xf32>
    %get3A_159 = vector.shape_cast %get3A_158 : vector<1x1x4096xf32> to vector<4096xf32>
    %min3A_160 = arith.minimumf %min3A_154, %get3A_159 : vector<4096xf32>
    %get3A_161 = arith.constant 1 : index
    %get3A_162 = arith.constant 6 : index
    %get3A_163 = arith.constant 0 : index
    %get3A_164 = vector.load %arg3[%get3A_161, %get3A_162, %get3A_163] : memref<2x16x4096xf32, #tpu.memory_space<vmem>>, vector<1x1x4096xf32>
    %get3A_165 = vector.shape_cast %get3A_164 : vector<1x1x4096xf32> to vector<4096xf32>
    %min3A_166 = arith.minimumf %min3A_160, %get3A_165 : vector<4096xf32>
    %get3A_167 = arith.constant 1 : index
    %get3A_168 = arith.constant 7 : index
    %get3A_169 = arith.constant 0 : index
    %get3A_170 = vector.load %arg3[%get3A_167, %get3A_168, %get3A_169] : memref<2x16x4096xf32, #tpu.memory_space<vmem>>, vector<1x1x4096xf32>
    %get3A_171 = vector.shape_cast %get3A_170 : vector<1x1x4096xf32> to vector<4096xf32>
    %min3A_172 = arith.minimumf %min3A_166, %get3A_171 : vector<4096xf32>
    %get3A_173 = arith.constant 1 : index
    %get3A_174 = arith.constant 8 : index
    %get3A_175 = arith.constant 0 : index
    %get3A_176 = vector.load %arg3[%get3A_173, %get3A_174, %get3A_175] : memref<2x16x4096xf32, #tpu.memory_space<vmem>>, vector<1x1x4096xf32>
    %get3A_177 = vector.shape_cast %get3A_176 : vector<1x1x4096xf32> to vector<4096xf32>
    %min3A_178 = arith.minimumf %min3A_172, %get3A_177 : vector<4096xf32>
    %get3A_179 = arith.constant 1 : index
    %get3A_180 = arith.constant 9 : index
    %get3A_181 = arith.constant 0 : index
    %get3A_182 = vector.load %arg3[%get3A_179, %get3A_180, %get3A_181] : memref<2x16x4096xf32, #tpu.memory_space<vmem>>, vector<1x1x4096xf32>
    %get3A_183 = vector.shape_cast %get3A_182 : vector<1x1x4096xf32> to vector<4096xf32>
    %min3A_184 = arith.minimumf %min3A_178, %get3A_183 : vector<4096xf32>
    %get3A_185 = arith.constant 1 : index
    %get3A_186 = arith.constant 10 : index
    %get3A_187 = arith.constant 0 : index
    %get3A_188 = vector.load %arg3[%get3A_185, %get3A_186, %get3A_187] : memref<2x16x4096xf32, #tpu.memory_space<vmem>>, vector<1x1x4096xf32>
    %get3A_189 = vector.shape_cast %get3A_188 : vector<1x1x4096xf32> to vector<4096xf32>
    %min3A_190 = arith.minimumf %min3A_184, %get3A_189 : vector<4096xf32>
    %get3A_191 = arith.constant 1 : index
    %get3A_192 = arith.constant 11 : index
    %get3A_193 = arith.constant 0 : index
    %get3A_194 = vector.load %arg3[%get3A_191, %get3A_192, %get3A_193] : memref<2x16x4096xf32, #tpu.memory_space<vmem>>, vector<1x1x4096xf32>
    %get3A_195 = vector.shape_cast %get3A_194 : vector<1x1x4096xf32> to vector<4096xf32>
    %min3A_196 = arith.minimumf %min3A_190, %get3A_195 : vector<4096xf32>
    %get3A_197 = arith.constant 1 : index
    %get3A_198 = arith.constant 12 : index
    %get3A_199 = arith.constant 0 : index
    %get3A_200 = vector.load %arg3[%get3A_197, %get3A_198, %get3A_199] : memref<2x16x4096xf32, #tpu.memory_space<vmem>>, vector<1x1x4096xf32>
    %get3A_201 = vector.shape_cast %get3A_200 : vector<1x1x4096xf32> to vector<4096xf32>
    %min3A_202 = arith.minimumf %min3A_196, %get3A_201 : vector<4096xf32>
    %get3A_203 = arith.constant 1 : index
    %get3A_204 = arith.constant 13 : index
    %get3A_205 = arith.constant 0 : index
    %get3A_206 = vector.load %arg3[%get3A_203, %get3A_204, %get3A_205] : memref<2x16x4096xf32, #tpu.memory_space<vmem>>, vector<1x1x4096xf32>
    %get3A_207 = vector.shape_cast %get3A_206 : vector<1x1x4096xf32> to vector<4096xf32>
    %min3A_208 = arith.minimumf %min3A_202, %get3A_207 : vector<4096xf32>
    %get3A_209 = arith.constant 1 : index
    %get3A_210 = arith.constant 14 : index
    %get3A_211 = arith.constant 0 : index
    %get3A_212 = vector.load %arg3[%get3A_209, %get3A_210, %get3A_211] : memref<2x16x4096xf32, #tpu.memory_space<vmem>>, vector<1x1x4096xf32>
    %get3A_213 = vector.shape_cast %get3A_212 : vector<1x1x4096xf32> to vector<4096xf32>
    %min3A_214 = arith.minimumf %min3A_208, %get3A_213 : vector<4096xf32>
    %get3A_215 = arith.constant 1 : index
    %get3A_216 = arith.constant 15 : index
    %get3A_217 = arith.constant 0 : index
    %get3A_218 = vector.load %arg3[%get3A_215, %get3A_216, %get3A_217] : memref<2x16x4096xf32, #tpu.memory_space<vmem>>, vector<1x1x4096xf32>
    %get3A_219 = vector.shape_cast %get3A_218 : vector<1x1x4096xf32> to vector<4096xf32>
    %min3A_220 = arith.minimumf %min3A_214, %get3A_219 : vector<4096xf32>
    %max3A_221 = arith.constant 0.000000e+00 : f32
    %max3A_222 = vector.broadcast %max3A_221 : f32 to vector<4096xf32>
    %max3A_223 = arith.maximumf %min3A_220, %max3A_222 : vector<4096xf32>
    %reduce_sum3A_224 = vector.shape_cast %max3A_223 : vector<4096xf32> to vector<1x4096xf32>
    %reduce_sum3A_225 = arith.constant dense<0.000000e+00> : vector<1xf32>
    %reduce_sum3A_226 = vector.multi_reduction <add>, %reduce_sum3A_224, %reduce_sum3A_225 [1] : vector<1x4096xf32> to vector<1xf32>
    %reduce_sum3A_227 = vector.shape_cast %reduce_sum3A_226 : vector<1xf32> to vector<1x1xf32>
    %reduce_sum3A_228 = vector.extract %reduce_sum3A_227[0, 0] : f32 from vector<1x1xf32>
    %add3A_229 = arith.addf %add3A_120, %reduce_sum3A_228 : f32
    %div3A = arith.constant 8.192000e+03 : f32
    %div3A_230 = arith.divf %add3A, %div3A : f32
    %div3A_231 = arith.constant 8.192000e+03 : f32
    %div3A_232 = arith.divf %add3A_229, %div3A_231 : f32
    %add3A_233 = arith.addf %div3A_230, %div3A_232 : f32
    %swap3A = arith.constant 0 : index
    %swap3A_234 = arith.constant 0 : index
    %swap3A_235 = memref.load %arg4[%swap3A, %swap3A_234] : memref<1x1xf32, #tpu.memory_space<smem>>
    memref.store %add3A_233, %arg4[%swap3A, %swap3A_234] : memref<1x1xf32, #tpu.memory_space<smem>>
    return
  }
}

</mosaic_0001>

<sc_bundles>
// kernel: kernel.5.cloned.1.call-start
scs
__scs_entry_jumppad:
0x0: {  	(pc) =	sbr.rel $0x88, $3  }
0x1: {  	(tag) =	ssettag $0x0;
	lr =	simm.s32 $0x1  }
0x2: {  	[smem:$0x3F9F] =	sst lr;
	_ =	strace $0xD0000000  }
0x3: {  	_ = 	snop  }
0x4: {  	_ = 	snop  }
0x5: {  	_ = 	snop  }
0x6: {  	_ = 	snop  }
0x7: {  	_ = 	snop  }
__scs_overlays_trampoline_lowered:
0x8: {  	[smem:$0x3FAE] =	sst s0  }
0x9: {  	[smem:$0x3FAF] =	sst s1  }
0xa: {  	[smem:$0x3FB0] =	sst s2  }
0xb: {  	[smem:$0x3FB1] =	sst s3  }
0xc: {  	[smem:$0x3FB2] =	sst s4  }
0xd: {  	[smem:$0x3FB3] =	sst s5  }
0xe: {  	[smem:$0x3FB4] =	sst s6  }
0xf: {  	[smem:$0x3FB5] =	sst s7  }
0x10: {  	[smem:$0x3FB6] =	sst s8  }
0x11: {  	[smem:$0x3FB7] =	sst s9;
	s0 =	simm.s32 @!p0 $0x0  }
0x12: {  	s1 =	sld [smem:$0x3F9D];
	s0 =	simm.s32 @p0 $0x1  }
0x13: {  	[smem:$0x3FB8] =	sst s0;
	s0 =	simm.s32 @!p1 $0x0  }
0x14: {  	s2 =	sld [smem:$0x3F9C];
	s0 =	simm.s32 @p1 $0x1  }
0x15: {  	[smem:$0x3FB9] =	sst s0;
	s0 =	simm.s32 @!p2 $0x0  }
0x16: {  	s3 =	sld [smem:$0x3FDB];
	s0 =	simm.s32 @p2 $0x1  }
0x17: {  	s4 =	simm.s32 $0x1BF5;
	[smem:$0x3FBB] =	sst s0  }
0x18: {  	s0 =	sld [smem:$0x3F9E];
	_ =	swait.ge [sflag:s4], $0x0  }
0x19: {  	s7 =	sld [smem:$0x3F9F]  }
0x1a: {  	s8 =	sadd.s32 $0xFFFFE003, lr  }
0x1b: {  	s9 =	sadd.s32 $0xFFFFFEF7, lr;
	s5 =	simm.s32 $0xFFFFFFFF;
	p2 =	slt.u32 s8, $0xFFFFF086  }
0x1c: {  	p1 =	slt.u32 s9, $0xF7A;
	s5 =	simm.s32 @!p2 $0x0  }
0x1d: {  	s5 =	simm.s32 @p1 $0x1;
	p0 =	seq.s32 s7, s2  }
0x1e: {  	s7 =	smul.u32 @!p0 $0xF7A, s2;
	p2 =	seq.s32 @!p0 s5, $0x0  }
0x1f: {  	s9 =	smul.u32 $0xF7A, s1;
	s8 =	simm.s32 @!p0 $0x1BF5;
	p2 =	por !p2, p0  }
0x20: {  	[sflag:s8] =	ssyncset.s32 @!p0 $0xFFFFF086;
	s6 =	sadd.s32 @!p0 s3, s7;
	s7 =	simm.s32 @!p0 $0x108  }
0x21: {  	s3 =	sadd.s32 s3, s9;
	s6 =	sadd.s32 @!p0 $0x88, s6;
	s7 =	simm.s32 @p2 $0x1082  }
0x22: {  	[simem:s7], [sflag:s8] =	dma.local @!p0 [hbm:s6], $0xF7A  }
0x23: {  	s9 =	sor.u32 $0xD0000000, s2;
	s6 =	simm.s32 $0x108;
	_ =	swait.ge @!p0 [sflag:s8], $0x0  }
0x24: {  	s3 =	sadd.s32 $0x88, s3;
	s6 =	simm.s32 @!p1 $0x1082;
	[sflag:s4] =	ssyncset.s32 $0xFFFFF086  }
0x25: {  	[simem:s6], [sflag:s4] =	dma.local [hbm:s3], $0xF7A  }
0x26: {  	[smem:$0x3F9F] =	sst s1;
	(tag) =	ssettag s2;
	_ =	strace s9  }
0x27: {  	s1 =	sld [smem:$0x3FAF]  }
0x28: {  	s2 =	sld [smem:$0x3FB0]  }
0x29: {  	s4 =	sld [smem:$0x3FB2]  }
0x2a: {  	p0 =	seq.s32 s5, $0x0;
	s5 =	sld [smem:$0x3FB3]  }
0x2b: {  	s6 =	sld [smem:$0x3FB4]  }
0x2c: {  	s7 =	sld [smem:$0x3FB5]  }
0x2d: {  	s3 =	simm.s32 $0x108;
	s8 =	sld [smem:$0x3FB6]  }
0x2e: {  	s3 =	simm.s32 @!p0 $0x1082;
	s9 =	sld [smem:$0x3FB7]  }
0x2f: {  	lr =	sadd.s32 s0, s3;
	s0 =	sld [smem:$0x3FAE]  }
0x30: {  	s3 =	sld [smem:$0x3FB1]  }
0x31: {  	[smem:$0x3FBA] =	sst s10  }
0x32: {  	s10 =	sld [smem:$0x3FB8];
	_ =	sdelay $0x3  }
0x33: {  	p0 =	seq.s32 s10, $0x1;
	s10 =	sld [smem:$0x3FBA];
	_ =	sdelay $0x3  }
0x34: {  	[smem:$0x3FBA] =	sst s10  }
0x35: {  	s10 =	sld [smem:$0x3FB9];
	_ =	sdelay $0x3  }
0x36: {  	p1 =	seq.s32 s10, $0x1;
	s10 =	sld [smem:$0x3FBA];
	_ =	sdelay $0x3  }
0x37: {  	[smem:$0x3FBA] =	sst s10  }
0x38: {  	s10 =	sld [smem:$0x3FBB]  }
0x39: {  	_ = 	snop;
	(pc) =	sbr.ind lr, $3  }
0x3a: {  	_ = 	snop  }
0x3b: {  	_ = 	snop  }
0x3c: {  	p2 =	seq.s32 s10, $0x1;
	s10 =	sld [smem:$0x3FBA]  }
0x3d: {  	_ =	shalt  }
0x3e: {  	_ =	shalt  }
0x3f: {  	_ =	shalt  }
0x40: {  	_ =	shalt  }
0x41: {  	_ =	shalt  }
0x42: {  	_ =	shalt  }
0x43: {  	_ =	shalt  }
0x44: {  	_ =	shalt  }
0x45: {  	_ =	shalt  }
0x46: {  	_ =	shalt  }
0x47: {  	_ =	shalt  }
0x48: {  	_ =	shalt  }
0x49: {  	_ =	shalt  }
0x4a: {  	_ =	shalt  }
0x4b: {  	_ =	shalt  }
0x4c: {  	_ =	shalt  }
0x4d: {  	_ =	shalt  }
0x4e: {  	_ =	shalt  }
0x4f: {  	_ =	shalt  }
0x50: {  	_ =	shalt  }
0x51: {  	_ =	shalt  }
0x52: {  	_ =	shalt  }
0x53: {  	_ =	shalt  }
0x54: {  	_ =	shalt  }
0x55: {  	_ =	shalt  }
0x56: {  	_ =	shalt  }
0x57: {  	_ =	shalt  }
0x58: {  	_ =	shalt  }
0x59: {  	_ =	shalt  }
0x5a: {  	_ =	shalt  }
0x5b: {  	_ =	shalt  }
0x5c: {  	_ =	shalt  }
0x5d: {  	_ =	shalt  }
0x5e: {  	_ =	shalt  }
0x5f: {  	_ =	shalt  }
0x60: {  	_ =	shalt  }
0x61: {  	_ =	shalt  }
0x62: {  	_ =	shalt  }
0x63: {  	_ =	shalt  }
0x64: {  	_ =	shalt  }
0x65: {  	_ =	shalt  }
0x66: {  	_ =	shalt  }
0x67: {  	_ =	shalt  }
0x68: {  	_ =	shalt  }
0x69: {  	_ =	shalt  }
0x6a: {  	_ =	shalt  }
0x6b: {  	_ =	shalt  }
0x6c: {  	_ =	shalt  }
0x6d: {  	_ =	shalt  }
0x6e: {  	_ =	shalt  }
0x6f: {  	_ =	shalt  }
0x70: {  	_ =	shalt  }
0x71: {  	_ =	shalt  }
0x72: {  	_ =	shalt  }
0x73: {  	_ =	shalt  }
0x74: {  	_ =	shalt  }
0x75: {  	_ =	shalt  }
0x76: {  	_ =	shalt  }
0x77: {  	_ =	shalt  }
0x78: {  	_ =	shalt  }
0x79: {  	_ =	shalt  }
0x7a: {  	_ =	shalt  }
0x7b: {  	_ =	shalt  }
0x7c: {  	_ =	shalt  }
0x7d: {  	_ =	shalt  }
0x7e: {  	_ =	shalt  }
0x7f: {  	_ =	shalt  }
0x80: {  	_ =	shalt  }
0x81: {  	_ =	shalt  }
0x82: {  	_ =	shalt  }
0x83: {  	_ =	shalt  }
0x84: {  	_ =	shalt  }
0x85: {  	_ =	shalt  }
0x86: {  	_ =	shalt  }
0x87: {  	_ =	shalt  }
.Lfunc_end0:
.L_simem_size_0:
called_computation_lowered:
.L_overlay_start_0:
0x88: {  	s2 =	sld [smem:$0x3FD9]  }
0x89: {  	s3 =	sld [smem:$0x3FFE];
	_ =	sdelay $0x1  }
0x8a: {  	s1 =	srdreg.scid  }
0x8b: {  	s0 =	sand.u32 $0x1, s1  }
0x8c: {  	s16 =	sshll.u32 s0, $0xA;
	s2 =	sadd.s32 s3, s2  }
0x8d: {  	s2 =	sadd.s32 s2, s16  }
0x8e: {  	[smem:$0x3FC6] =	sst s2  }
0x8f: {  	_ = 	snop  }
0x90: {  	(tm) =	ssettm $0x1  }
0x91: {  	s17 =	sld [smem:$0x3FFB];
	_ =	sdelay $0x3  }
0x92: {  	_ =	strace s17  }
0x93: {  	s2 =	sld [smem:$0x3FFC];
	_ =	sdelay $0x3  }
0x94: {  	_ =	strace s2  }
0x95: {  	s2 =	sld [smem:$0x3FFD];
	_ =	sdelay $0x3  }
0x96: {  	_ =	strace s2  }
0x97: {  	_ =	strace $0x8FFFFFFF  }
0x98: {  	s18 =	sld [smem:$0x3FDB];
	_ =	sdelay $0x1  }
0x99: {  	s19 =	simm.s32 $_scs_section_size  }
0x9a: {  	s4 =	simm.s32 $_size__tile_overlayer_lowered;
	s5 =	simm.s32 $_tile_overlayer_lowered  }
0x9b: {  	s22 =	simm.s32 $0x1BFF;
	s21 =	sshll.u32 s5, $0x1;
	s2 =	sadd.s32 s19, s18  }
0x9c: {  	s6 =	simm.s32 $0x0;
	s20 =	sshll.u32 s4, $0x1;
	s4 =	sadd.s32 s21, s2  }
0x9d: {  	[timem:s6], [sflag:s22] =	dma.local [hbm:s4], s20  }
0x9e: {  	_ =	swait.ge [sflag:s22], s20  }
0x9f: {  	s3 =	ssub.s32 $0x0, s20;
	[sflag:s22] =	ssyncset.done $0x0  }
0xa0: {  	[sflag:s22] =	ssyncadd.s32 s3;
	_ =	sdelay $0x1  }
0xa1: {  	s23 =	simm.s32 $0x1B8B  }
0xa2: {  	_ =	swait.ge [sflag:s23], $0x1  }
0xa3: {  	[sflag:s23] =	ssyncset.done $0x0  }
0xa4: {  	s25 =	simm.s32 $0x1B8E;
	s24 =	sld [smem:$0x3FFE];
	[sflag:s23] =	ssyncadd.s32 $0xFFFFFFFF  }
0xa5: {  	s26 =	simm.s32 $execute0_lowered;
	[smem:$0x3FD2] =	sst s25  }
0xa6: {  	s4 =	sshll.u32 s26, $0x1;
	_ =	strace $0x80000046;
	[dreg:$0x1] =	wrdreg $0xFFFFFFFF  }
0xa7: {  	s28 =	simm.s32 $_size_execute0_lowered;
	s2 =	sadd.s32 s2, s4;
	[dreg:$0x0] =	wrdreg $0x0  }
0xa8: {  	s4 =	sshll.u32 s28, $0x1;
	[dreg:$0x2] =	wrdreg s2  }
0xa9: {  	[dreg:$0x3] =	wrdreg s4  }
0xaa: {  	[dreg:$0x4] =	wrdreg $0xC0  }
0xab: {  	_ =	task [dreg:s6], $0x5FFFF  }
0xac: {  	[dreg:$0x1] =	wrdreg $0xFFFFFFFF  }
0xad: {  	[dreg:$0x0] =	wrdreg $0x60  }
0xae: {  	[dreg:$0x2] =	wrdreg s24  }
0xaf: {  	[dreg:$0x3] =	wrdreg $0x9  }
0xb0: {  	_ =	task.clear_ibuf [dreg:s6], $0x4FFFF;
	_ =	strace $0x90000046  }
0xb1: {  	s29 =	simm.s32 $0x9;
	_ =	strace $0x80000048  }
0xb2: {  	_ =	swait.ge [sflag:s29], $0x1  }
0xb3: {  	[sflag:s29] =	ssyncadd.s32 $0xFFFFFFFF  }
0xb4: {  	_ =	strace $0x90000048  }
0xb5: {  	_ =	sfence  }
0xb6: {  	s30 =	sld [smem:$0x0];
	_ =	sdelay $0x2  }
0xb7: {  	s31 =	sshll.u32 s1, $0xD;
	s1 =	sshrl.u32 s1, $0x2  }
0xb8: {  	s3 =	sand.u32 $0x4000, s31;
	s1 =	sadd.s32 s1, s30  }
0xb9: {  	s0 =	sor.u32 s3, s0;
	s1 =	sshll.u32 s1, $0x11  }
0xba: {  	s0 =	sor.u32 s1, s0  }
0xbb: {  	s0 =	sadd.s32 $0x8F2B, s0  }
0xbc: {  	[sflag:s0] =	ssyncadd.remote.s32 $0x1  }
0xbd: {  	_ =	sfence.sel $0xFFFF  }
0xbe: {  	[dreg:$0x0] =	wrdreg $0xFFFFFFFF;
	(pc) =	sbr.abs _section_cstart, $3  }
0xbf: {  	[dreg:$0x1] =	wrdreg $0xFFFFFFFF  }
0xc0: {  	_ =	task.clear_ibuf [dreg:s6], $0x2FFFF;
	_ =	strace $0x9FFFFFFF  }
0xc1: {  	(tm) =	ssettm $0x7FFFFFFF  }
tec
execute0_lowered:
.L_overlay_start_1:
0x0: {  	(tag) =	ssettag $0x1  }
0x1: {  	s3 =	rddreg [dreg:$0x0]  }
0x2: {  	s0 =	rddreg [dreg:$0x1]  }
0x3: {  	s2 =	simm.s32 $0x0;
	s1 =	stileid.u32;
	s5 =	srdreg.scid  }
0x4: {  	s11 =	simm.s32 $0x400;
	s12 =	simm.s32 $0x5200;
	s13 =	simm.s32 $0x4200  }
0x5: {  	s14 =	simm.s32 $0x0;
	[smem:$0x7FF] =	sst s2;
	s4 =	sshll.u32 s1, $0x6  }
0x6: {  	s5 =	sand.u32 $0x1, s5;
	s6 =	sshrl.u32 s1, $0x3;
	s9 =	sshll.u32 s1, $0x7  }
0x7: {  	_ =	strace $0x80000047;
	s4 =	sadd.s32 s4, s3;
	s7 =	sshll.u32 s5, $0xC  }
0x8: {  	s8 =	sshll.u32 s6, $0xB;
	s10 =	sshll.u32 s5, $0xB;
	s28 =	sand.u32 $0x380, s9  }
0x9: {  	s29 =	sshll.u32 s5, $0x10;
	s6 =	sshll.u32 s6, $0xF;
	s30 =	ssub.s32 $0x2, s5  }
0xa: {  	s5 =	sshll.u32 s5, $0xA;
	s9 =	simm.s32 $0x1;
	s7 =	sor.u32 s7, s8  }
0xb: {  	s10 =	sadd.s32 s10, s3;
	s6 =	sor.u32 s29, s6;
	s31 =	sshrl.u32 s30, $0x1  }
0xc: {  	s4 =	sadd.s32 s5, s4;
	s7 =	sor.u32 s28, s7;
	s6 =	sor.u32 s28, s6  }
0xd: {  	s8 =	ssub.s32 s30, s31;
	s7 =	sshrl.u32 s7, $0x3;
	s6 =	sshrl.u32 s6, $0x3  }
0xe: {  	s4 =	sadd.s32 $0x600, s4;
	s7 =	sadd.s32 s7, s3;
	s6 =	sadd.s32 s6, s3  }
0xf: {  	s3 =	sadd.s32 $0xE00, s10;
	s10 =	simm.s32 $0x80;
	s5 =	sadd.s32 $0x1E00, s7  }
0x10: {  	v0 =	vimm.f32 $+Inf;
	s6 =	sadd.s32 $0x2200, s6;
	s7 =	smax.u32 s8, $0x1;
	s8 =	simm.s32 $0x200  }
.LBB2_1:
0x11: {  	[tilespmem:s8], [sflag:$0x1] =	stream.linear.gather [hbm4b:s3+s2], $0x4000, $0x38;
	[tilespmem:$0x5300] =	vst v63  }
0x12: {  	_ =	swait.ge [sflag:s9], $0x4000  }
0x13: {  	[sflag:s9] =	ssyncset.done $0x0  }
0x14: {  	[sflag:s9] =	ssyncadd.s32 $0xFFFFC000  }
0x15: {  	[tilespmem:s2], [sflag:$0x1] =	stream.linear.gather [hbm4b:s4+s2], $0x200, $0x38;
	[tilespmem:$0x5300] =	vst v63  }
0x16: {  	_ =	swait.ge [sflag:s9], $0x200  }
0x17: {  	[sflag:s9] =	ssyncset.done $0x0  }
0x18: {  	s15 =	simm.s32 $0x40;
	s16 =	simm.s32 $0x0;
	[sflag:s9] =	ssyncadd.s32 $0xFFFFFE00  }
.LBB2_2:
0x19: {  	p0 =	sne.s32 s15, $0x3FC0;
	[tilespmem:s16+$0x4200] =	vst v0;
	s16 =	smov.u32 s15;
	s15 =	sadd.s32 $0x40, s15  }
.Ltmp0:
0x1a: {  	(pc) =	sbr.rel @p0 .LBB2_2-.Ltmp0, $2  }
0x1b: {  	_ =	sdelay $0x2  }
0x1c: {  	s16 =	sshra.s32 s16, $0x2  }
0x1d: {  	[tilespmem:s16+$0x4200] =	vst v0  }
0x1e: {  	v0 =	vld [tilespmem:$0x0]  }
0x1f: {  	v3 =	vld [tilespmem:$0x180]  }
0x20: {  	v1 =	vld [tilespmem:$0x80]  }
0x21: {  	v2 =	vld [tilespmem:$0x100];
	_ =	sdelay $0x3  }
0x22: {  	v15 =	vbroadcast v3, $0x0;
	v16 =	vbroadcast v0, $0x0  }
0x23: {  	v14 =	vbroadcast v1, $0x0;
	v10 =	vbroadcast v2, $0x0  }
0x24: {  	v8 =	vbroadcast v3, $0x1;
	v18 =	vbroadcast v0, $0x1  }
0x25: {  	v11 =	vbroadcast v1, $0x1;
	v4 =	vbroadcast v2, $0x1  }
0x26: {  	v21 =	vbroadcast v3, $0x2;
	v23 =	vbroadcast v0, $0x2  }
0x27: {  	v22 =	vbroadcast v1, $0x2;
	v9 =	vbroadcast v2, $0x2  }
0x28: {  	v19 =	vbroadcast v3, $0x3;
	v25 =	vbroadcast v0, $0x3  }
0x29: {  	s15 =	simm.s32 $0x0;
	v17 =	vbroadcast v1, $0x3;
	v6 =	vbroadcast v2, $0x3  }
0x2a: {  	s17 =	sand.u32 $0x3E00, s15;
	v28 =	vbroadcast v3, $0x4;
	v30 =	vbroadcast v0, $0x4  }
0x2b: {  	s30 =	sand.u32 $0x60, s15;
	s17 =	sadd.s32 $0x200, s17;
	v29 =	vbroadcast v1, $0x4;
	v7 =	vbroadcast v2, $0x4  }
0x2c: {  	s18 =	sor.u32 s30, s17;
	v31 =	vbroadcast v3, $0x5;
	v32 =	vbroadcast v0, $0x5  }
0x2d: {  	v37 =	vld [tilespmem:s18+$0x80];
	v26 =	vbroadcast v1, $0x5;
	v12 =	vbroadcast v2, $0x5  }
0x2e: {  	v38 =	vld [tilespmem:s18+$0x0];
	v33 =	vbroadcast v3, $0x6;
	v34 =	vbroadcast v0, $0x6  }
0x2f: {  	v35 =	vbroadcast v1, $0x6;
	v13 =	vbroadcast v2, $0x6  }
0x30: {  	v39 =	vld [tilespmem:s18+$0x180];
	v36 =	vbroadcast v3, $0x7;
	v27 =	vbroadcast v0, $0x7  }
0x31: {  	v20 =	vbroadcast v1, $0x7;
	v24 =	vbroadcast v2, $0x7  }
0x32: {  	v42 =	vld [tilespmem:s18+$0x100];
	v40 =	vmul.f32 v37, v11;
	v41 =	vmul.f32 v37, v26  }
0x33: {  	v43 =	vmul.f32 v37, v14;
	v44 =	vmul.f32 v38, v27  }
0x34: {  	v45 =	vmul.f32 v38, v16;
	v47 =	vmul.f32 v38, v34  }
0x35: {  	v46 =	vadd.f32 v39, v33;
	v49 =	vmul.f32 v38, v25;
	v51 =	vmul.f32 v37, v22  }
0x36: {  	[tilespmem:$0x1FFD0] =	vst v1;
	v48 =	vadd.f32 v39, v15;
	v52 =	vmul.f32 v38, v32;
	v1 =	vmul.f32 v38, v18  }
0x37: {  	[tilespmem:$0x1FFE0] =	vst v2;
	v50 =	vadd.f32 v39, v28;
	v2 =	vmul.f32 v37, v17;
	v53 =	vmul.f32 v42, v10  }
0x38: {  	[tilespmem:$0x1FFB0] =	vst v3;
	v54 =	vadd.f32 v39, v36;
	v3 =	vadd.f32 v39, v21;
	v57 =	vmul.f32 v38, v23  }
0x39: {  	v58 =	vadd.f32 v39, v31;
	v38 =	vmul.f32 v38, v30;
	v60 =	vadd.f32 v39, v8  }
0x3a: {  	v55 =	vmul.f32 v37, v29;
	v39 =	vadd.f32 v39, v19;
	v46 =	vadd.f32 v46, v47  }
0x3b: {  	v56 =	vmul.f32 v42, v9;
	v45 =	vadd.f32 v48, v45;
	v38 =	vadd.f32 v50, v38  }
0x3c: {  	v59 =	vmul.f32 v42, v4;
	v47 =	vadd.f32 v60, v1;
	v62 =	vadd.f32 v58, v52  }
0x3d: {  	v61 =	vmul.f32 v42, v13;
	v39 =	vadd.f32 v39, v49;
	v43 =	vadd.f32 v45, v43  }
0x3e: {  	v63 =	vmul.f32 v42, v24;
	v45 =	vadd.f32 v3, v57;
	v40 =	vadd.f32 v47, v40  }
0x3f: {  	[tilespmem:$0x1FFC0] =	vst v0;
	v0 =	vmul.f32 v42, v7;
	v41 =	vadd.f32 v62, v41;
	v39 =	vadd.f32 v39, v2  }
0x40: {  	v1 =	vmul.f32 v42, v6;
	v38 =	vadd.f32 v38, v55;
	v45 =	vadd.f32 v45, v51  }
0x41: {  	v42 =	vmul.f32 v42, v12;
	v43 =	vadd.f32 v43, v53;
	v3 =	vadd.f32 v40, v59  }
0x42: {  	v55 =	vmul.f32 v37, v35;
	v37 =	vmul.f32 v37, v20;
	v2 =	vadd.f32 v45, v56  }
0x43: {  	v47 =	vadd.f32 v39, v1;
	v56 =	vadd.f32 v54, v44;
	v58 =	vmin.f32 v43, v3  }
0x44: {  	s31 =	simm.s32 $0x0;
	v38 =	vadd.f32 v38, v0;
	v39 =	vadd.f32 v46, v55;
	v44 =	vmin.f32 v58, v2  }
0x45: {  	v60 =	vld [tilespmem:s31+$0x4200];
	v41 =	vadd.f32 v41, v42;
	v37 =	vadd.f32 v56, v37;
	v59 =	vmin.f32 v44, v47  }
0x46: {  	v40 =	vadd.f32 v39, v61;
	v42 =	vmin.f32 v59, v38  }
0x47: {  	v39 =	vadd.f32 v37, v63;
	v61 =	vmin.f32 v42, v41  }
0x48: {  	v37 =	vmin.f32 v61, v40  }
0x49: {  	v37 =	vmin.f32 v37, v39  }
0x4a: {  	s16 =	sor.u32 $0x10, s30;
	v37 =	vmin.f32 v60, v37  }
0x4b: {  	s17 =	sor.u32 s16, s17;
	[tilespmem:s31+$0x4200] =	vst v37  }
0x4c: {  	v49 =	vld [tilespmem:s17+$0x0]  }
0x4d: {  	v51 =	vld [tilespmem:s17+$0x180]  }
0x4e: {  	v37 =	vimm.f32 $+Inf;
	v48 =	vld [tilespmem:s17+$0x80]  }
0x4f: {  	v45 =	vmin.f32 v37, v43;
	v42 =	vmin.f32 v37, v2;
	v46 =	vmin.f32 v37, v3  }
0x50: {  	v44 =	vmin.f32 v37, v47;
	v43 =	vmin.f32 v37, v38;
	v41 =	vmin.f32 v37, v41  }
0x51: {  	v38 =	vimm.f32 $+Inf;
	v62 =	vmul.f32 v49, v16;
	v54 =	vmul.f32 v49, v18  }
0x52: {  	v63 =	vadd.f32 v51, v15;
	v50 =	vmul.f32 v49, v30;
	v53 =	vadd.f32 v51, v36  }
0x53: {  	v55 =	vadd.f32 v51, v21;
	v52 =	vadd.f32 v51, v28;
	v56 =	vmul.f32 v48, v35  }
0x54: {  	s19 =	simm.s32 $0x0;
	s18 =	simm.s32 $0x0;
	[tilespmem:$0x1FFF0] =	vst v4;
	v47 =	vld [tilespmem:s17+$0x100];
	s17 =	simm.s32 $0x0;
	v57 =	vmul.f32 v49, v23;
	v59 =	vmul.f32 v49, v25;
	v58 =	vadd.f32 v63, v62  }
.LBB2_4:
0x55: {  	v60 =	vmul.f32 v48, v22  }
0x56: {  	v62 =	vadd.f32 v51, v33;
	v2 =	vmul.f32 v49, v32;
	v4 =	vadd.f32 v51, v19  }
0x57: {  	v1 =	vadd.f32 v51, v31;
	v0 =	vmul.f32 v49, v34;
	v5 =	vmul.f32 v48, v14  }
0x58: {  	v50 =	vadd.f32 v52, v50;
	v4 =	vadd.f32 v4, v59;
	v59 =	vmul.f32 v48, v17  }
0x59: {  	v1 =	vadd.f32 v1, v2;
	v2 =	vmul.f32 v48, v26;
	v0 =	vadd.f32 v62, v0  }
0x5a: {  	v49 =	vmul.f32 v49, v27;
	v5 =	vadd.f32 v58, v5;
	v4 =	vadd.f32 v4, v59;
	v59 =	vld [tilespmem:$0x1FFF0]  }
0x5b: {  	v61 =	vmul.f32 v48, v29;
	v1 =	vadd.f32 v1, v2;
	v2 =	vadd.f32 v51, v8  }
0x5c: {  	v58 =	vmul.f32 v48, v11;
	v49 =	vadd.f32 v53, v49;
	v63 =	vmul.f32 v47, v10  }
0x5d: {  	v3 =	vmul.f32 v47, v9;
	v0 =	vadd.f32 v0, v56;
	v2 =	vadd.f32 v2, v54  }
0x5e: {  	v52 =	vmul.f32 v47, v13;
	v5 =	vadd.f32 v5, v63;
	v63 =	vadd.f32 v55, v57  }
0x5f: {  	v56 =	vmul.f32 v47, v12;
	v2 =	vadd.f32 v2, v58;
	v62 =	vmul.f32 v47, v59  }
0x60: {  	v55 =	vmul.f32 v47, v24;
	v57 =	vmul.f32 v48, v20;
	v58 =	vadd.f32 v63, v60  }
0x61: {  	v1 =	vadd.f32 v1, v56;
	v60 =	vmul.f32 v47, v6;
	v2 =	vadd.f32 v2, v62  }
0x62: {  	v63 =	vmul.f32 v47, v7;
	v3 =	vadd.f32 v58, v3;
	v62 =	vadd.f32 v50, v61  }
0x63: {  	s20 =	sand.u32 $0xF80, s17;
	v45 =	vmin.f32 v45, v5;
	v4 =	vadd.f32 v4, v60;
	v5 =	vmin.f32 v5, v2  }
0x64: {  	s21 =	sor.u32 s16, s20;
	v48 =	vadd.f32 v49, v57;
	v49 =	vadd.f32 v62, v63;
	v57 =	vmin.f32 v5, v3  }
0x65: {  	v44 =	vmin.f32 v44, v4;
	v46 =	vmin.f32 v46, v2;
	v2 =	vmin.f32 v57, v4;
	v4 =	vld [tilespmem:s21+$0x4200]  }
0x66: {  	v0 =	vadd.f32 v0, v52;
	v2 =	vmin.f32 v2, v49  }
0x67: {  	v41 =	vmin.f32 v41, v1;
	v5 =	vadd.f32 v48, v55;
	v1 =	vmin.f32 v2, v1  }
0x68: {  	s15 =	sadd.s32 $0x80, s15;
	v1 =	vmin.f32 v1, v0  }
0x69: {  	s19 =	sadd.s32 $0x20, s19;
	s29 =	sand.u32 $0x3E00, s15;
	v58 =	vmin.f32 v37, v40;
	v61 =	vmin.f32 v1, v5  }
0x6a: {  	s22 =	sand.u32 $0x60, s19;
	s30 =	sadd.s32 $0x200, s29;
	v37 =	vmin.f32 v58, v0;
	v0 =	vmin.f32 v4, v61  }
0x6b: {  	s23 =	sor.u32 s22, s30;
	[tilespmem:s21+$0x4200] =	vst v0  }
0x6c: {  	v0 =	vld [tilespmem:s23+$0x80]  }
0x6d: {  	v1 =	vld [tilespmem:s23+$0x0]  }
0x6e: {  	v2 =	vld [tilespmem:s23+$0x180];
	_ =	sdelay $0x1  }
0x6f: {  	v60 =	vmin.f32 v38, v39  }
0x70: {  	v42 =	vmin.f32 v42, v3;
	v38 =	vmin.f32 v60, v5;
	v5 =	vld [tilespmem:s23+$0x100];
	v3 =	vmul.f32 v0, v11  }
0x71: {  	v43 =	vmin.f32 v43, v49;
	v62 =	vmul.f32 v0, v14;
	v40 =	vmul.f32 v1, v27  }
0x72: {  	v63 =	vmul.f32 v1, v16;
	v57 =	vadd.f32 v2, v33;
	v58 =	vmul.f32 v1, v34  }
0x73: {  	v60 =	vadd.f32 v2, v15;
	v51 =	vmul.f32 v1, v25;
	v53 =	vmul.f32 v0, v22  }
0x74: {  	v52 =	vadd.f32 v2, v28;
	v54 =	vmul.f32 v1, v32;
	v49 =	vmul.f32 v1, v18  }
0x75: {  	v50 =	vmul.f32 v0, v17;
	v55 =	vmul.f32 v5, v10;
	v47 =	vadd.f32 v60, v63  }
0x76: {  	v56 =	vmul.f32 v0, v29;
	v61 =	vadd.f32 v2, v31;
	v48 =	vadd.f32 v57, v58  }
0x77: {  	v59 =	vmul.f32 v5, v59;
	v57 =	vadd.f32 v2, v36;
	v39 =	vadd.f32 v47, v62  }
0x78: {  	v58 =	vmul.f32 v5, v9;
	v60 =	vmul.f32 v1, v23;
	v47 =	vadd.f32 v2, v21  }
0x79: {  	v1 =	vmul.f32 v1, v30;
	v55 =	vadd.f32 v39, v55;
	v39 =	vadd.f32 v2, v19  }
0x7a: {  	v63 =	vmul.f32 v5, v7;
	v2 =	vadd.f32 v2, v8;
	v47 =	vadd.f32 v47, v60  }
0x7b: {  	v1 =	vadd.f32 v52, v1;
	v62 =	vmul.f32 v5, v24;
	v39 =	vadd.f32 v39, v51  }
0x7c: {  	v60 =	vmul.f32 v5, v13;
	v47 =	vadd.f32 v47, v53;
	v2 =	vadd.f32 v2, v49  }
0x7d: {  	v53 =	vmul.f32 v5, v12;
	v5 =	vmul.f32 v5, v6;
	v39 =	vadd.f32 v39, v50  }
0x7e: {  	v1 =	vadd.f32 v1, v56;
	v2 =	vadd.f32 v2, v3  }
0x7f: {  	v56 =	vadd.f32 v39, v5;
	v5 =	vadd.f32 v57, v40;
	v57 =	vmul.f32 v0, v20  }
0x80: {  	v4 =	vmul.f32 v0, v26;
	v61 =	vadd.f32 v61, v54;
	v2 =	vadd.f32 v2, v59  }
0x81: {  	v47 =	vadd.f32 v47, v58;
	v0 =	vmul.f32 v0, v35;
	v5 =	vadd.f32 v5, v57  }
0x82: {  	v4 =	vadd.f32 v61, v4;
	v1 =	vadd.f32 v1, v63;
	v58 =	vmin.f32 v55, v2  }
0x83: {  	s31 =	sshra.s32 s15, $0x2;
	v0 =	vadd.f32 v48, v0;
	v39 =	vadd.f32 v5, v62;
	v5 =	vmin.f32 v58, v47  }
0x84: {  	v4 =	vadd.f32 v4, v53;
	v59 =	vld [tilespmem:s31+$0x4200];
	v5 =	vmin.f32 v5, v56  }
0x85: {  	v40 =	vadd.f32 v0, v60;
	v61 =	vmin.f32 v5, v1  }
0x86: {  	v0 =	vmin.f32 v61, v4  }
0x87: {  	v0 =	vmin.f32 v0, v40  }
0x88: {  	v0 =	vmin.f32 v0, v39  }
0x89: {  	s16 =	sor.u32 $0x10, s22;
	v0 =	vmin.f32 v59, v0  }
0x8a: {  	s20 =	sor.u32 s16, s30;
	[tilespmem:s31+$0x4200] =	vst v0  }
0x8b: {  	v49 =	vld [tilespmem:s20+$0x0]  }
0x8c: {  	v51 =	vld [tilespmem:s20+$0x180]  }
0x8d: {  	s18 =	sadd.s32 $0x2, s18;
	v48 =	vld [tilespmem:s20+$0x80]  }
0x8e: {  	p0 =	slt.u32 s18, $0xFE;
	v45 =	vmin.f32 v45, v55;
	v43 =	vmin.f32 v43, v1  }
.Ltmp1:
0x8f: {  	v42 =	vmin.f32 v42, v47;
	v41 =	vmin.f32 v41, v4;
	v46 =	vmin.f32 v46, v2;
	(pc) =	sbr.rel @p0 .LBB2_4-.Ltmp1, $4  }
0x90: {  	v44 =	vmin.f32 v44, v56;
	v62 =	vmul.f32 v49, v16;
	v54 =	vmul.f32 v49, v18  }
0x91: {  	v63 =	vadd.f32 v51, v15;
	v50 =	vmul.f32 v49, v30;
	v53 =	vadd.f32 v51, v36  }
0x92: {  	v55 =	vadd.f32 v51, v21;
	v52 =	vadd.f32 v51, v28;
	v56 =	vmul.f32 v48, v35  }
0x93: {  	s17 =	smov.u32 s19;
	v47 =	vld [tilespmem:s20+$0x100];
	v57 =	vmul.f32 v49, v23;
	v59 =	vmul.f32 v49, v25;
	v58 =	vadd.f32 v63, v62  }
0x94: {  	v0 =	vmul.f32 v48, v22  }
0x95: {  	v1 =	vmul.f32 v48, v29;
	v2 =	vadd.f32 v51, v31;
	v3 =	vmul.f32 v49, v32  }
0x96: {  	v4 =	vadd.f32 v51, v33;
	v5 =	vadd.f32 v51, v19;
	v15 =	vmul.f32 v49, v34  }
0x97: {  	v14 =	vmul.f32 v48, v14;
	v16 =	vmul.f32 v48, v17;
	v8 =	vadd.f32 v51, v8  }
0x98: {  	v2 =	vadd.f32 v2, v3;
	v3 =	vmul.f32 v48, v26;
	v4 =	vadd.f32 v4, v15;
	v15 =	vld [tilespmem:$0x1FFF0]  }
0x99: {  	v11 =	vmul.f32 v48, v11;
	v5 =	vadd.f32 v5, v59;
	v14 =	vadd.f32 v58, v14  }
0x9a: {  	v8 =	vadd.f32 v8, v54;
	v10 =	vmul.f32 v47, v10;
	v2 =	vadd.f32 v2, v3  }
0x9b: {  	v3 =	vadd.f32 v5, v16;
	v5 =	vmul.f32 v49, v27;
	v4 =	vadd.f32 v4, v56  }
0x9c: {  	v9 =	vmul.f32 v47, v9;
	v10 =	vadd.f32 v14, v10;
	v14 =	vadd.f32 v55, v57  }
0x9d: {  	v8 =	vadd.f32 v8, v11;
	v16 =	vadd.f32 v52, v50;
	v15 =	vmul.f32 v47, v15  }
0x9e: {  	v6 =	vmul.f32 v47, v6;
	v5 =	vadd.f32 v53, v5;
	v0 =	vadd.f32 v14, v0  }
0x9f: {  	v11 =	vmul.f32 v47, v24;
	v1 =	vadd.f32 v16, v1;
	v8 =	vadd.f32 v8, v15  }
0xa0: {  	v51 =	vld [tilespmem:$0x1FFB0];
	v7 =	vmul.f32 v47, v7;
	v3 =	vadd.f32 v3, v6;
	v0 =	vadd.f32 v0, v9  }
0xa1: {  	s15 =	sand.u32 $0xF80, s17;
	v35 =	vld [tilespmem:$0x1FFC0];
	v6 =	vmul.f32 v47, v12;
	v14 =	vmul.f32 v48, v20;
	v9 =	vmin.f32 v10, v8  }
0xa2: {  	v36 =	vld [tilespmem:$0x1FFD0];
	s15 =	sor.u32 s16, s15;
	v12 =	vmul.f32 v47, v13;
	v1 =	vadd.f32 v1, v7;
	v7 =	vmin.f32 v9, v0  }
0xa3: {  	v2 =	vadd.f32 v2, v6;
	v5 =	vadd.f32 v5, v14;
	v6 =	vmin.f32 v7, v3;
	v7 =	vld [tilespmem:s15+$0x4200]  }
0xa4: {  	v4 =	vadd.f32 v4, v12;
	v6 =	vmin.f32 v6, v1  }
0xa5: {  	v14 =	vadd.f32 v5, v11;
	v5 =	vmin.f32 v6, v2  }
0xa6: {  	v19 =	vbroadcast v51, $0xA;
	v22 =	vbroadcast v35, $0xA;
	v5 =	vmin.f32 v5, v4  }
0xa7: {  	v21 =	vbroadcast v36, $0xA;
	v23 =	vbroadcast v35, $0xB;
	v5 =	vmin.f32 v5, v14  }
0xa8: {  	v18 =	vbroadcast v36, $0xB;
	v24 =	vbroadcast v51, $0xC;
	v5 =	vmin.f32 v7, v5  }
0xa9: {  	v27 =	vbroadcast v35, $0xC;
	v25 =	vbroadcast v36, $0xC;
	v10 =	vmin.f32 v45, v10;
	[tilespmem:s15+$0x4200] =	vst v5  }
0xaa: {  	v28 =	vbroadcast v51, $0xD;
	v29 =	vbroadcast v35, $0xD;
	v11 =	vmin.f32 v46, v8;
	[tilespmem:$0x5200] =	vst v10  }
0xab: {  	v26 =	vbroadcast v36, $0xD;
	v30 =	vbroadcast v51, $0xE;
	v0 =	vmin.f32 v42, v0;
	[tilespmem:$0x5210] =	vst v11  }
0xac: {  	v31 =	vbroadcast v35, $0xE;
	v32 =	vbroadcast v36, $0xE;
	v3 =	vmin.f32 v44, v3;
	[tilespmem:$0x5220] =	vst v0  }
0xad: {  	v33 =	vbroadcast v51, $0xF;
	v13 =	vbroadcast v35, $0x8;
	v1 =	vmin.f32 v43, v1;
	[tilespmem:$0x5230] =	vst v3  }
0xae: {  	v16 =	vbroadcast v35, $0x9;
	v2 =	vmin.f32 v41, v2;
	v5 =	vld [tilespmem:$0x1FFE0];
	s15 =	simm.s32 $0x0;
	v0 =	vmin.f32 v37, v40;
	[tilespmem:$0x5240] =	vst v1  }
0xaf: {  	v12 =	vbroadcast v51, $0x8;
	v3 =	vmin.f32 v38, v39;
	[tilespmem:$0x5250] =	vst v2;
	s29 =	sand.u32 $0x3E00, s15;
	v0 =	vmin.f32 v0, v4  }
0xb0: {  	v20 =	vbroadcast v51, $0xB;
	v9 =	vbroadcast v36, $0x8;
	s30 =	sand.u32 $0x60, s15;
	v1 =	vmin.f32 v3, v14;
	s17 =	sadd.s32 $0x200, s29;
	[tilespmem:$0x5260] =	vst v0  }
0xb1: {  	v8 =	vbroadcast v36, $0x9;
	v6 =	vbroadcast v51, $0x9;
	[tilespmem:$0x5270] =	vst v1;
	s18 =	sor.u32 s30, s17  }
0xb2: {  	v4 =	vbroadcast v35, $0xF;
	v1 =	vbroadcast v36, $0xF;
	v0 =	vld [tilespmem:s18+$0x80]  }
0xb3: {  	v3 =	vld [tilespmem:s18+$0x0];
	v7 =	vbroadcast v5, $0x8;
	v54 =	vbroadcast v5, $0x9  }
0xb4: {  	v11 =	vbroadcast v5, $0xA;
	v10 =	vbroadcast v5, $0xB  }
0xb5: {  	v34 =	vld [tilespmem:s18+$0x180];
	v14 =	vbroadcast v5, $0xC;
	v15 =	vbroadcast v5, $0xD  }
0xb6: {  	v17 =	vbroadcast v5, $0xE;
	v2 =	vbroadcast v5, $0xF  }
0xb7: {  	v37 =	vld [tilespmem:s18+$0x100];
	v35 =	vmul.f32 v0, v8;
	v36 =	vmul.f32 v0, v26  }
0xb8: {  	v57 =	vmul.f32 v0, v9;
	v39 =	vmul.f32 v3, v4  }
0xb9: {  	v58 =	vmul.f32 v3, v13;
	v60 =	vmul.f32 v3, v31  }
0xba: {  	v59 =	vadd.f32 v34, v30;
	v44 =	vmul.f32 v3, v23;
	v46 =	vmul.f32 v0, v21  }
0xbb: {  	v61 =	vadd.f32 v34, v12;
	v62 =	vmul.f32 v3, v29;
	v63 =	vmul.f32 v3, v16  }
0xbc: {  	v45 =	vadd.f32 v34, v24;
	v43 =	vmul.f32 v0, v18;
	v56 =	vmul.f32 v37, v7  }
0xbd: {  	v49 =	vadd.f32 v34, v33;
	v50 =	vmul.f32 v0, v25;
	v41 =	vadd.f32 v59, v60  }
0xbe: {  	v40 =	vadd.f32 v61, v58;
	v59 =	vmul.f32 v3, v22;
	v60 =	vadd.f32 v34, v28  }
0xbf: {  	v3 =	vmul.f32 v3, v27;
	v61 =	vadd.f32 v34, v6;
	v39 =	vadd.f32 v49, v39  }
0xc0: {  	[tilespmem:$0x1FFA0] =	vst v54;
	v54 =	vmul.f32 v37, v54;
	v38 =	vadd.f32 v40, v57;
	v57 =	vadd.f32 v34, v19  }
0xc1: {  	v52 =	vmul.f32 v37, v17;
	v34 =	vadd.f32 v34, v20;
	v3 =	vadd.f32 v45, v3  }
0xc2: {  	v53 =	vmul.f32 v37, v14;
	v42 =	vadd.f32 v61, v63;
	v62 =	vadd.f32 v60, v62  }
0xc3: {  	v55 =	vmul.f32 v37, v10;
	v38 =	vadd.f32 v38, v56;
	v40 =	vadd.f32 v57, v59  }
0xc4: {  	v58 =	vmul.f32 v37, v11;
	v34 =	vadd.f32 v34, v44;
	v35 =	vadd.f32 v42, v35  }
0xc5: {  	v63 =	vmul.f32 v37, v2;
	v36 =	vadd.f32 v62, v36;
	v40 =	vadd.f32 v40, v46  }
0xc6: {  	v37 =	vmul.f32 v37, v15;
	v34 =	vadd.f32 v34, v43;
	v56 =	vadd.f32 v35, v54  }
0xc7: {  	v3 =	vadd.f32 v3, v50;
	v57 =	vmul.f32 v0, v32;
	v40 =	vadd.f32 v40, v58  }
0xc8: {  	v0 =	vmul.f32 v0, v1;
	v34 =	vadd.f32 v34, v55;
	v58 =	vmin.f32 v38, v56  }
0xc9: {  	s31 =	simm.s32 $0x0;
	v59 =	vadd.f32 v3, v53;
	v3 =	vadd.f32 v41, v57;
	v60 =	vmin.f32 v58, v40  }
0xca: {  	v62 =	vld [tilespmem:s31+$0x4200];
	v0 =	vadd.f32 v39, v0;
	v61 =	vadd.f32 v36, v37;
	v35 =	vmin.f32 v60, v34  }
0xcb: {  	v36 =	vadd.f32 v3, v52;
	v3 =	vmin.f32 v35, v59  }
0xcc: {  	v35 =	vadd.f32 v0, v63;
	v0 =	vmin.f32 v3, v61  }
0xcd: {  	v0 =	vmin.f32 v0, v36  }
0xce: {  	v0 =	vmin.f32 v0, v35  }
0xcf: {  	s16 =	sor.u32 $0x10, s30;
	v0 =	vmin.f32 v62, v0  }
0xd0: {  	s17 =	sor.u32 s16, s17;
	[tilespmem:s31+$0x4200] =	vst v0  }
0xd1: {  	v45 =	vld [tilespmem:s17+$0x0]  }
0xd2: {  	v47 =	vld [tilespmem:s17+$0x180]  }
0xd3: {  	v3 =	vimm.f32 $+Inf;
	v44 =	vld [tilespmem:s17+$0x80]  }
0xd4: {  	v41 =	vmin.f32 v3, v38;
	v37 =	vmin.f32 v3, v40;
	v42 =	vmin.f32 v3, v56  }
0xd5: {  	v40 =	vmin.f32 v3, v34;
	v39 =	vmin.f32 v3, v59;
	v38 =	vmin.f32 v3, v61  }
0xd6: {  	v34 =	vimm.f32 $+Inf;
	v0 =	vmul.f32 v45, v13;
	v50 =	vmul.f32 v45, v16  }
0xd7: {  	v63 =	vadd.f32 v47, v12;
	v46 =	vmul.f32 v45, v27;
	v49 =	vadd.f32 v47, v33  }
0xd8: {  	v51 =	vadd.f32 v47, v19;
	v48 =	vadd.f32 v47, v24;
	v52 =	vmul.f32 v44, v32  }
0xd9: {  	s19 =	simm.s32 $0x0;
	s18 =	simm.s32 $0x0;
	v43 =	vld [tilespmem:s17+$0x100];
	s17 =	simm.s32 $0x0;
	v53 =	vmul.f32 v45, v22;
	v55 =	vmul.f32 v45, v23;
	v54 =	vadd.f32 v63, v0  }
.LBB2_6:
0xda: {  	v59 =	vadd.f32 v47, v28;
	v60 =	vmul.f32 v45, v29  }
0xdb: {  	v0 =	vmul.f32 v44, v21;
	v56 =	vmul.f32 v44, v25;
	v57 =	vadd.f32 v47, v30  }
0xdc: {  	v62 =	vadd.f32 v47, v20;
	v59 =	vadd.f32 v59, v60;
	v60 =	vmul.f32 v44, v26  }
0xdd: {  	v63 =	vmul.f32 v45, v31;
	v5 =	vmul.f32 v44, v9;
	v47 =	vadd.f32 v47, v6  }
0xde: {  	v45 =	vmul.f32 v45, v4;
	v46 =	vadd.f32 v48, v46;
	v59 =	vadd.f32 v59, v60;
	v60 =	vld [tilespmem:$0x1FFA0]  }
0xdf: {  	v55 =	vadd.f32 v62, v55;
	v62 =	vmul.f32 v44, v18;
	v57 =	vadd.f32 v57, v63  }
0xe0: {  	v5 =	vadd.f32 v54, v5;
	v54 =	vmul.f32 v44, v8;
	v47 =	vadd.f32 v47, v50  }
0xe1: {  	v45 =	vadd.f32 v49, v45;
	v46 =	vadd.f32 v46, v56;
	v58 =	vmul.f32 v43, v7  }
0xe2: {  	v61 =	vmul.f32 v43, v11;
	v52 =	vadd.f32 v57, v52;
	v57 =	vadd.f32 v51, v53  }
0xe3: {  	v47 =	vadd.f32 v47, v54;
	v5 =	vadd.f32 v5, v58;
	v58 =	vmul.f32 v43, v60  }
0xe4: {  	v55 =	vadd.f32 v55, v62;
	v53 =	vmul.f32 v43, v10;
	v0 =	vadd.f32 v57, v0  }
0xe5: {  	v51 =	vmul.f32 v43, v2;
	v62 =	vmul.f32 v44, v1;
	v54 =	vadd.f32 v47, v58  }
0xe6: {  	v57 =	vmul.f32 v43, v14;
	v49 =	vadd.f32 v55, v53;
	v0 =	vadd.f32 v0, v61  }
0xe7: {  	s20 =	sand.u32 $0xF80, s17;
	v41 =	vmin.f32 v41, v5;
	v58 =	vmul.f32 v43, v15;
	v5 =	vmin.f32 v5, v54  }
0xe8: {  	s21 =	sor.u32 s16, s20;
	v63 =	vmul.f32 v43, v17;
	v46 =	vadd.f32 v46, v57;
	v5 =	vmin.f32 v5, v0  }
0xe9: {  	v44 =	vadd.f32 v45, v62;
	v61 =	vld [tilespmem:s21+$0x4200];
	v43 =	vadd.f32 v59, v58;
	v5 =	vmin.f32 v5, v49  }
0xea: {  	v37 =	vmin.f32 v37, v0;
	v0 =	vadd.f32 v52, v63;
	v5 =	vmin.f32 v5, v46  }
0xeb: {  	v62 =	vadd.f32 v44, v51;
	v5 =	vmin.f32 v5, v43  }
0xec: {  	s15 =	sadd.s32 $0x80, s15;
	v3 =	vmin.f32 v3, v36;
	v5 =	vmin.f32 v5, v0  }
0xed: {  	s19 =	sadd.s32 $0x20, s19;
	s29 =	sand.u32 $0x3E00, s15;
	v3 =	vmin.f32 v3, v0;
	v0 =	vmin.f32 v5, v62  }
0xee: {  	s22 =	sand.u32 $0x60, s19;
	s30 =	sadd.s32 $0x200, s29;
	v0 =	vmin.f32 v61, v0  }
0xef: {  	s23 =	sor.u32 s22, s30;
	[tilespmem:s21+$0x4200] =	vst v0  }
0xf0: {  	v0 =	vld [tilespmem:s23+$0x80];
	_ =	sdelay $0x1  }
0xf1: {  	v5 =	vld [tilespmem:s23+$0x0]  }
0xf2: {  	v34 =	vmin.f32 v34, v35;
	v35 =	vld [tilespmem:s23+$0x180]  }
0xf3: {  	v40 =	vmin.f32 v40, v49  }
0xf4: {  	v39 =	vmin.f32 v39, v46;
	v34 =	vmin.f32 v34, v62;
	v36 =	vmul.f32 v0, v8  }
0xf5: {  	v38 =	vmin.f32 v38, v43;
	v44 =	vld [tilespmem:s23+$0x100];
	v43 =	vmul.f32 v0, v26;
	v63 =	vmul.f32 v0, v9  }
0xf6: {  	v42 =	vmin.f32 v42, v54;
	v46 =	vmul.f32 v5, v4;
	v58 =	vmul.f32 v5, v13  }
0xf7: {  	v59 =	vadd.f32 v35, v30;
	v61 =	vmul.f32 v5, v31;
	v62 =	vadd.f32 v35, v12  }
0xf8: {  	v51 =	vmul.f32 v5, v23;
	v52 =	vadd.f32 v35, v24;
	v53 =	vmul.f32 v0, v21  }
0xf9: {  	v54 =	vmul.f32 v5, v29;
	v49 =	vmul.f32 v5, v16;
	v47 =	vadd.f32 v62, v58  }
0xfa: {  	v50 =	vmul.f32 v0, v18;
	v55 =	vmul.f32 v44, v7;
	v57 =	vadd.f32 v35, v33  }
0xfb: {  	v56 =	vmul.f32 v0, v25;
	v48 =	vadd.f32 v59, v61;
	v45 =	vadd.f32 v47, v63  }
0xfc: {  	v59 =	vmul.f32 v44, v60;
	v60 =	vmul.f32 v5, v22;
	v61 =	vadd.f32 v35, v28  }
0xfd: {  	v5 =	vmul.f32 v5, v27;
	v47 =	vadd.f32 v35, v19;
	v55 =	vadd.f32 v45, v55  }
0xfe: {  	v58 =	vmul.f32 v44, v11;
	v45 =	vadd.f32 v35, v20;
	v35 =	vadd.f32 v35, v6  }
0xff: {  	v62 =	vmul.f32 v44, v14;
	v5 =	vadd.f32 v52, v5;
	v63 =	vadd.f32 v61, v54  }
0x100: {  	v61 =	vmul.f32 v44, v2;
	v47 =	vadd.f32 v47, v60;
	v35 =	vadd.f32 v35, v49  }
0x101: {  	v60 =	vmul.f32 v44, v17;
	v43 =	vadd.f32 v63, v43;
	v5 =	vadd.f32 v5, v56  }
0x102: {  	v63 =	vmul.f32 v44, v15;
	v45 =	vadd.f32 v45, v51;
	v35 =	vadd.f32 v35, v36  }
0x103: {  	v44 =	vmul.f32 v44, v10;
	v47 =	vadd.f32 v47, v53;
	v53 =	vadd.f32 v57, v46  }
0x104: {  	v56 =	vmul.f32 v0, v1;
	v45 =	vadd.f32 v45, v50;
	v57 =	vadd.f32 v35, v59  }
0x105: {  	v0 =	vmul.f32 v0, v32;
	v52 =	vadd.f32 v47, v58  }
0x106: {  	v58 =	vadd.f32 v53, v56;
	v50 =	vadd.f32 v45, v44;
	v59 =	vmin.f32 v55, v57  }
0x107: {  	s31 =	sshra.s32 s15, $0x2;
	v5 =	vadd.f32 v5, v62;
	v0 =	vadd.f32 v48, v0;
	v36 =	vmin.f32 v59, v52  }
0x108: {  	v35 =	vadd.f32 v58, v61;
	v61 =	vadd.f32 v43, v63;
	v63 =	vld [tilespmem:s31+$0x4200];
	v62 =	vmin.f32 v36, v50  }
0x109: {  	v36 =	vadd.f32 v0, v60;
	v0 =	vmin.f32 v62, v5  }
0x10a: {  	v0 =	vmin.f32 v0, v61  }
0x10b: {  	v0 =	vmin.f32 v0, v36  }
0x10c: {  	v0 =	vmin.f32 v0, v35  }
0x10d: {  	s16 =	sor.u32 $0x10, s22;
	v0 =	vmin.f32 v63, v0  }
0x10e: {  	s20 =	sor.u32 s16, s30;
	[tilespmem:s31+$0x4200] =	vst v0  }
0x10f: {  	v45 =	vld [tilespmem:s20+$0x0]  }
0x110: {  	v47 =	vld [tilespmem:s20+$0x180]  }
0x111: {  	s18 =	sadd.s32 $0x2, s18;
	v44 =	vld [tilespmem:s20+$0x80]  }
0x112: {  	p0 =	slt.u32 s18, $0xFE;
	v41 =	vmin.f32 v41, v55;
	v39 =	vmin.f32 v39, v5  }
.Ltmp2:
0x113: {  	v37 =	vmin.f32 v37, v52;
	v42 =	vmin.f32 v42, v57;
	v40 =	vmin.f32 v40, v50;
	(pc) =	sbr.rel @p0 .LBB2_6-.Ltmp2, $4  }
0x114: {  	v38 =	vmin.f32 v38, v61;
	v0 =	vmul.f32 v45, v13;
	v50 =	vmul.f32 v45, v16  }
0x115: {  	v5 =	vadd.f32 v47, v12;
	v46 =	vmul.f32 v45, v27;
	v49 =	vadd.f32 v47, v33  }
0x116: {  	v51 =	vadd.f32 v47, v19;
	v48 =	vadd.f32 v47, v24;
	v52 =	vmul.f32 v44, v32  }
0x117: {  	s17 =	smov.u32 s19;
	v43 =	vld [tilespmem:s20+$0x100];
	v53 =	vmul.f32 v45, v22;
	v55 =	vmul.f32 v45, v23;
	v54 =	vadd.f32 v5, v0  }
0x118: {  	v0 =	vmul.f32 v44, v21  }
0x119: {  	v5 =	vmul.f32 v44, v25;
	v12 =	vadd.f32 v47, v28;
	v13 =	vmul.f32 v45, v29  }
0x11a: {  	v16 =	vadd.f32 v47, v30;
	v19 =	vadd.f32 v47, v20;
	v9 =	vmul.f32 v44, v9  }
0x11b: {  	v32 =	vmul.f32 v45, v31;
	v33 =	vmul.f32 v44, v26;
	v6 =	vadd.f32 v47, v6  }
0x11c: {  	v18 =	vmul.f32 v44, v18;
	v53 =	vadd.f32 v51, v53;
	v9 =	vadd.f32 v54, v9;
	v54 =	vld [tilespmem:$0x1FFA0]  }
0x11d: {  	v4 =	vmul.f32 v45, v4;
	v12 =	vadd.f32 v12, v13;
	v19 =	vadd.f32 v19, v55  }
0x11e: {  	v8 =	vmul.f32 v44, v8;
	v16 =	vadd.f32 v16, v32;
	v6 =	vadd.f32 v6, v50  }
0x11f: {  	v1 =	vmul.f32 v44, v1;
	v4 =	vadd.f32 v49, v4;
	v55 =	vadd.f32 v48, v46  }
0x120: {  	v0 =	vadd.f32 v53, v0;
	v7 =	vmul.f32 v43, v7;
	v12 =	vadd.f32 v12, v33  }
0x121: {  	v47 =	vadd.f32 v19, v18;
	v6 =	vadd.f32 v6, v8;
	v18 =	vmul.f32 v43, v54  }
0x122: {  	v50 =	vmul.f32 v43, v11;
	v52 =	vadd.f32 v16, v52;
	v2 =	vmul.f32 v43, v2  }
0x123: {  	v10 =	vmul.f32 v43, v10;
	v7 =	vadd.f32 v9, v7;
	v6 =	vadd.f32 v6, v18  }
0x124: {  	v5 =	vadd.f32 v55, v5;
	v56 =	vmul.f32 v43, v14;
	v0 =	vadd.f32 v0, v50  }
0x125: {  	s15 =	sand.u32 $0xF80, s17;
	v58 =	vmul.f32 v43, v15;
	v57 =	vadd.f32 v47, v10;
	v59 =	vmin.f32 v7, v6  }
0x126: {  	s15 =	sor.u32 s16, s15;
	v60 =	vmul.f32 v43, v17;
	v5 =	vadd.f32 v5, v56;
	v61 =	vmin.f32 v59, v0  }
0x127: {  	v63 =	vld [tilespmem:s15+$0x4200];
	v1 =	vadd.f32 v4, v1;
	v62 =	vadd.f32 v12, v58;
	v8 =	vmin.f32 v61, v57  }
0x128: {  	v11 =	vadd.f32 v52, v60;
	v8 =	vmin.f32 v8, v5  }
0x129: {  	v1 =	vadd.f32 v1, v2;
	v2 =	vmin.f32 v8, v62  }
0x12a: {  	v2 =	vmin.f32 v2, v11  }
0x12b: {  	v2 =	vmin.f32 v2, v1  }
0x12c: {  	v2 =	vmin.f32 v63, v2  }
0x12d: {  	v7 =	vmin.f32 v41, v7;
	[tilespmem:s15+$0x4200] =	vst v2  }
0x12e: {  	v2 =	vmin.f32 v42, v6;
	[tilespmem:$0x5280] =	vst v7  }
0x12f: {  	v3 =	vmin.f32 v3, v36;
	v0 =	vmin.f32 v37, v0;
	[tilespmem:$0x5290] =	vst v2  }
0x130: {  	v3 =	vmin.f32 v3, v11;
	[tilespmem:$0x52A0] =	vst v0  }
0x131: {  	v2 =	vmin.f32 v40, v57;
	[tilespmem:$0x52E0] =	vst v3  }
0x132: {  	v0 =	vmin.f32 v39, v5;
	[tilespmem:$0x52B0] =	vst v2  }
0x133: {  	v2 =	vmin.f32 v38, v62;
	[tilespmem:$0x52C0] =	vst v0;
	v0 =	vmin.f32 v34, v35  }
0x134: {  	[tilespmem:$0x52D0] =	vst v2;
	v0 =	vmin.f32 v0, v1  }
0x135: {  	[tilespmem:$0x52F0] =	vst v0  }
0x136: {  	[hbm4b:s5+s10] =	stream.strided.scatter [tilespmem:s12], [sflag:$0x1], $0x100, s11, s10, $0x38;
	[tilespmem:$0x5300] =	vst v63  }
0x137: {  	s14 =	sadd.s32 $0x1, s14;
	_ =	swait.ge [sflag:s9], $0x100  }
0x138: {  	p0 =	sne.s32 s14, s7;
	[sflag:s9] =	ssyncset.done $0x0  }
.Ltmp3:
0x139: {  	[sflag:s9] =	ssyncadd.s32 $0xFFFFFF00;
	(pc) =	sbr.rel @p0 .LBB2_1-.Ltmp3, $4  }
0x13a: {  	[hbm4b:s6+s10] =	stream.strided.scatter [tilespmem:s13], [sflag:$0x1], $0x1000, s11, s10, $0x38;
	[tilespmem:$0x5300] =	vst v63  }
0x13b: {  	_ =	swait.ge [sflag:s9], $0x1000  }
0x13c: {  	[sflag:s9] =	ssyncset.done $0x0  }
0x13d: {  	v0 =	vimm.f32 $+Inf;
	[sflag:s9] =	ssyncadd.s32 $0xFFFFF000  }
0x13e: {  	_ =	sfence.sel $0x180000  }
0x13f: {  	[bflag:$0x0] =	sbarrier.arrive $0xFFFF  }
0x140: {  	p0 =	sne.s32 s1, $0x0;
	_ =	strace $0x90000047  }
0x141: {  	s0 =	sadd.s32 @!p0 $0x100000, s0;
	[bflag:$0x2] =	sbarrier.arrive $0xFFFF  }
0x142: {  	[sflag:s0] =	ssyncadd.tile.s32 @!p0 $0x1;
	_ =	shalt  }
.Lfunc_end2:
_tile_overlayer_lowered:
.L_overlay_start_2:
0x143: {  	(tag) =	ssettag $0x2  }
0x144: {  	s0 =	rddreg [dreg:$0x0];
	s2 =	stileid.u32  }
0x145: {  	s1 =	rddreg [dreg:$0x1];
	p0 =	sne.s32 s2, $0x0  }
0x146: {  	s3 =	rddreg [dreg:$0x2];
	[bflag:$0x3] =	sbarrier.arrive $0xFFFF;
	s2 =	simm.s32 @!p0 $0x1C01  }
0x147: {  	[timem:s3], [sflag:s2] =	dma.local @!p0 [hbm:s0], s1  }
0x148: {  	s0 =	simm.s32 @!p0 $0x1  }
0x149: {  	_ =	swait.ge @!p0 [sflag:s0], s1  }
0x14a: {  	s1 =	ssub.s32 @!p0 $0x0, s1;
	[sflag:s0] =	ssyncset.done @!p0 $0x0  }
0x14b: {  	[sflag:s0] =	ssyncadd.s32 @!p0 s1  }
0x14c: {  	[bflag:$0x3] =	sbarrier.arrive $0xFFFF  }
0x14d: {  	_ =	shalt  }

</sc_bundles>
